<compile_context>
chip_gen: v7x
topology: tpu7x:2x2x1
jax: 0.10.2.dev20260603
libtpu: 0.0.44.dev20260713+nightly
codegen_flags: <defaults>
</compile_context>

<pallas_src>
import functools

import jax
import jax.numpy as jnp
from jax import lax
from jax.experimental import pallas as pl
from jax.experimental.pallas import tpu as pltpu
from jax.experimental.pallas import tpu_sc as plsc

EMBEDDING_DIM = 64

_NUM_CORES = 2
_NUM_SUBCORES = 16
_NUM_WORKERS = _NUM_CORES * _NUM_SUBCORES

_CHUNK = 320


@functools.partial(jax.jit, static_argnames=("num_indices",))
def _embedding_gather(weight, flat_ids, *, num_indices):
    b_per_w = num_indices // _NUM_WORKERS
    n_chunks = b_per_w // _CHUNK
    assert n_chunks % 2 == 0
    mesh = plsc.VectorSubcoreMesh(core_axis_name="c", subcore_axis_name="s")

    @functools.partial(
        pl.kernel,
        mesh=mesh,
        out_type=jax.ShapeDtypeStruct((num_indices, EMBEDDING_DIM), jnp.float32),
        scratch_types=[
            pltpu.VMEM((b_per_w,), jnp.int32),
            *[pltpu.VMEM((_CHUNK, EMBEDDING_DIM), jnp.float32) for _ in range(2)],
            *[pltpu.SemaphoreType.DMA for _ in range(4)],
        ],
    )
    def gather_kernel(table_hbm, idx_hbm, out_hbm, idx_v, *scr):
        rows = scr[0:2]
        gsem = scr[2:4]
        osem = scr[4:6]

        wid = lax.axis_index("s") * _NUM_CORES + lax.axis_index("c")
        base = wid * b_per_w

        pltpu.sync_copy(idx_hbm.at[pl.ds(base, b_per_w)], idx_v)

        def issue_gathers(c, b):
            def group(j, carry):
                idv = idx_v[pl.ds(c * _CHUNK + j * 16, 16)]
                for l in range(16):
                    pltpu.async_copy(
                        table_hbm.at[idv[l]],
                        rows[b].at[j * 16 + l],
                        gsem[b],
                    )
                return carry

            lax.fori_loop(0, _CHUNK // 16, group, 0)

        def drain_gathers(b):
            def one(i, carry):
                pltpu.make_async_copy(
                    table_hbm.at[0], rows[b].at[0], gsem[b]
                ).wait()
                return carry

            lax.fori_loop(0, _CHUNK, one, 0)

        def start_out(c, b):
            return pltpu.async_copy(
                rows[b], out_hbm.at[pl.ds(base + c * _CHUNK, _CHUNK)], osem[b]
            )

        def wait_out(b):
            pltpu.make_async_copy(
                out_hbm.at[pl.ds(0, _CHUNK)], rows[b], osem[b]
            ).wait()

        def body(t, carry):
            c0 = 2 * t
            c1 = c0 + 1

            @pl.when(t > 0)
            def _():
                wait_out(0)

            issue_gathers(c0, 0)

            @pl.when(t > 0)
            def _():
                wait_out(1)

            issue_gathers(c1, 1)
            drain_gathers(0)
            start_out(c0, 0)
            drain_gathers(1)
            start_out(c1, 1)
            return carry

        lax.fori_loop(0, n_chunks // 2, body, 0)
        wait_out(0)
        wait_out(1)

    return gather_kernel(weight, flat_ids)


def kernel(token_ids, weight):
    batch, seq = token_ids.shape
    num_rows, dim = weight.shape
    flat = token_ids.reshape(-1).astype(jnp.int32)
    out = _embedding_gather(weight, flat, num_indices=batch * seq)
    return out.reshape(batch, seq, dim)

# --- scband reference (transcript-rebuilt; emitter-appended) ---
"""Pipeline reference for scband-embedding-7902739825052 (READ-ONLY COPY).

The authoritative reference and input builder live on the scoring server;
editing this copy changes nothing except your own understanding.
"""

import jax, jax.numpy as jnp
import numpy as np

NUM_EMBEDDINGS = 1000000
EMBEDDING_DIM = 64
BATCH = 4096
SEQ = 200

def setup_inputs(seed: int = 0) -> dict:
    key = jax.random.key(seed)
    k_idx, k_w = jax.random.split(key)
    token_ids = jax.random.randint(k_idx, (BATCH, SEQ), 0, NUM_EMBEDDINGS, dtype=jnp.int64 if jax.config.jax_enable_x64 else jnp.int32)
    # trunc_normal_(mean=0, std=1, a=-3, b=3) approximated by clipped normal
    weight = jnp.clip(jax.random.normal(k_w, (NUM_EMBEDDINGS, EMBEDDING_DIM), dtype=jnp.float32), -3.0, 3.0)
    return {"token_ids": token_ids, "weight": weight}

def reference(token_ids, weight):
    # Faithful translation of: return self.weight[token_ids]
    return jnp.take(weight, token_ids, axis=0)

if __name__ == "__main__":
    import jax
    _d = setup_inputs()
    print(jax.jit(kernel)(*tuple(_d.values())))

</pallas_src>

<mosaic_0001>
#map = affine_map<(d0, d1) -> (0, 0)>
#map1 = affine_map<(d0, d1) -> (0)>
module attributes {stable_mosaic.version = 14 : i64} {
  func.func @gather_kernel(%arg0: i32, %arg1: i32, %arg2: memref<1000000x64xf32, #tpu.memory_space<hbm>>, %arg3: memref<819200xi32, #tpu.memory_space<hbm>>, %arg4: memref<819200x64xf32, #tpu.memory_space<hbm>>, %arg5: memref<25600xi32, #tpu.memory_space<vmem>>, %arg6: memref<320x64xf32, #tpu.memory_space<vmem>>, %arg7: memref<320x64xf32, #tpu.memory_space<vmem>>, %arg8: memref<!tpu.dma_semaphore, #tpu.memory_space<semaphore_mem>>, %arg9: memref<!tpu.dma_semaphore, #tpu.memory_space<semaphore_mem>>, %arg10: memref<!tpu.dma_semaphore, #tpu.memory_space<semaphore_mem>>, %arg11: memref<!tpu.dma_semaphore, #tpu.memory_space<semaphore_mem>>) attributes {dimension_semantics = [#tpu.dimension_semantics<core_parallel>, #tpu.dimension_semantics<subcore_parallel>], iteration_bounds = array<i64: 2, 16>, scalar_prefetch = 0 : i64, scratch_operands = 7 : i64, tpu.core_type = #tpu.core_type<sc_vector_subcore>, window_params = [{transform_indices = #map}, {transform_indices = #map1}, {transform_indices = #map}]} {
    %mul3A = arith.constant 2 : i32
    %mul3A_0 = arith.muli %arg1, %mul3A : i32
    %add3A = arith.addi %mul3A_0, %arg0 : i32
    %mul3A_1 = arith.constant 25600 : i32
    %mul3A_2 = arith.muli %add3A, %mul3A_1 : i32
    "tpu.region"() ({
      %run_scoped3A = tpu.sem_alloc : memref<!tpu.dma_semaphore, #tpu.memory_space<semaphore_mem>>
      %dma_start3A = tpu.memref_slice %arg3[%mul3A_2] : memref<819200xi32, #tpu.memory_space<hbm>> -> memref<25600xi32, #tpu.memory_space<hbm>>
      %dma_start3A_19 = tpu.memref_slice %arg3[%mul3A_2] : memref<819200xi32, #tpu.memory_space<hbm>> -> memref<25600xi32, #tpu.memory_space<hbm>>
      tpu.enqueue_dma source(%dma_start3A_19 : memref<25600xi32, #tpu.memory_space<hbm>>) target(%arg5 : memref<25600xi32, #tpu.memory_space<vmem>>) target_semaphore(%run_scoped3A : memref<!tpu.dma_semaphore, #tpu.memory_space<semaphore_mem>>)
      %dma_wait3A_20 = tpu.memref_slice %arg3[%mul3A_2] : memref<819200xi32, #tpu.memory_space<hbm>> -> memref<25600xi32, #tpu.memory_space<hbm>>
      %dma_wait3A_21 = tpu.memref_slice %arg3[%mul3A_2] : memref<819200xi32, #tpu.memory_space<hbm>> -> memref<25600xi32, #tpu.memory_space<hbm>>
      tpu.wait_dma2 semaphore(%run_scoped3A : memref<!tpu.dma_semaphore, #tpu.memory_space<semaphore_mem>>) src(%dma_wait3A_21 : memref<25600xi32, #tpu.memory_space<hbm>>) dst(%arg5 : memref<25600xi32, #tpu.memory_space<vmem>>)
      tpu.yield
    }) : () -> ()
    %scan3A = arith.constant 0 : i32
    %scan3A_3 = arith.constant 0 : i32
    %scan3A_4 = arith.constant 40 : i32
    %scan3A_5 = arith.addi %scan3A_3, %scan3A_4 : i32
    %scan3A_6 = arith.constant 1 : i32
    scf.for %scan3A_19 = %scan3A_3 to %scan3A_5 step %scan3A_6  : i32 {
      %mul3A_20 = arith.constant 2 : i32
      %mul3A_21 = arith.muli %mul3A_20, %scan3A_19 : i32
      %add3A_22 = arith.constant 1 : i32
      %add3A_23 = arith.addi %mul3A_21, %add3A_22 : i32
      %gt3A = arith.constant 0 : i32
      %gt3A_24 = arith.cmpi sgt, %scan3A_19, %gt3A : i32
      %convert_element_type3A = arith.extui %gt3A_24 : i1 to i32
      %cond3A = arith.constant 0 : i32
      %cond3A_25 = arith.cmpi ne, %convert_element_type3A, %cond3A : i32
      scf.if %cond3A_25 {
        %dma_wait3A_68 = arith.constant 0 : i32
        %dma_wait3A_69 = arith.constant 0 : i32
        %dma_wait3A_70 = tpu.memref_slice %arg4[%dma_wait3A_68, %dma_wait3A_69] : memref<819200x64xf32, #tpu.memory_space<hbm>> -> memref<320x64xf32, #tpu.memory_space<hbm>>
        %dma_wait3A_71 = arith.constant 0 : i32
        %dma_wait3A_72 = arith.constant 0 : i32
        %dma_wait3A_73 = tpu.memref_slice %arg4[%dma_wait3A_71, %dma_wait3A_72] : memref<819200x64xf32, #tpu.memory_space<hbm>> -> memref<320x64xf32, #tpu.memory_space<hbm>>
        tpu.wait_dma2 semaphore(%arg10 : memref<!tpu.dma_semaphore, #tpu.memory_space<semaphore_mem>>) src(%dma_wait3A_73 : memref<320x64xf32, #tpu.memory_space<hbm>>) dst(%arg6 : memref<320x64xf32, #tpu.memory_space<vmem>>)
      } else {
      }
      %scan3A_26 = arith.constant 0 : i32
      %scan3A_27 = arith.constant 0 : i32
      %scan3A_28 = arith.constant 20 : i32
      %scan3A_29 = arith.addi %scan3A_27, %scan3A_28 : i32
      %scan3A_30 = arith.constant 1 : i32
      scf.for %scan3A_68 = %scan3A_27 to %scan3A_29 step %scan3A_30  : i32 {
        %mul3A_69 = arith.constant 320 : i32
        %mul3A_70 = arith.muli %mul3A_21, %mul3A_69 : i32
        %mul3A_71 = arith.constant 16 : i32
        %mul3A_72 = arith.muli %scan3A_68, %mul3A_71 : i32
        %add3A_73 = arith.addi %mul3A_70, %mul3A_72 : i32
        %get3A = arith.index_cast %add3A_73 : i32 to index
        %get3A_74 = tpu.vector_load %arg5[%get3A] {strides = array<i32>} : memref<25600xi32, #tpu.memory_space<vmem>>, vector<16xi32>,
        %get3A_75 = vector.shape_cast %get3A_74 : vector<16xi32> to vector<16xi32>
        %slice3A = vector.extract_strided_slice %get3A_75 {offsets = [0], sizes = [1], strides = [1]} : vector<16xi32> to vector<1xi32>
        %squeeze3A = vector.extract %slice3A[0] : i32 from vector<1xi32>
        %mul3A_76 = arith.constant 16 : i32
        %mul3A_77 = arith.muli %scan3A_68, %mul3A_76 : i32
        %add3A_78 = arith.constant 0 : i32
        %add3A_79 = arith.addi %mul3A_77, %add3A_78 : i32
        %dma_start3A_80 = arith.constant 0 : i32
        %dma_start3A_81 = tpu.memref_slice %arg6[%add3A_79, %dma_start3A_80] : memref<320x64xf32, #tpu.memory_space<vmem>> -> memref<1x64xf32, #tpu.memory_space<vmem>>
        %dma_start3A_82 = tpu.memref_squeeze %dma_start3A_81 : memref<1x64xf32, #tpu.memory_space<vmem>> -> memref<64xf32, #tpu.memory_space<vmem>>
        %dma_start3A_83 = arith.constant 0 : i32
        %dma_start3A_84 = tpu.memref_slice %arg2[%squeeze3A, %dma_start3A_83] : memref<1000000x64xf32, #tpu.memory_space<hbm>> -> memref<1x64xf32, #tpu.memory_space<hbm>>
        %dma_start3A_85 = tpu.memref_squeeze %dma_start3A_84 : memref<1x64xf32, #tpu.memory_space<hbm>> -> memref<64xf32, #tpu.memory_space<hbm>>
        %dma_start3A_86 = arith.constant 0 : i32
        %dma_start3A_87 = tpu.memref_slice %arg6[%add3A_79, %dma_start3A_86] : memref<320x64xf32, #tpu.memory_space<vmem>> -> memref<1x64xf32, #tpu.memory_space<vmem>>
        %dma_start3A_88 = tpu.memref_squeeze %dma_start3A_87 : memref<1x64xf32, #tpu.memory_space<vmem>> -> memref<64xf32, #tpu.memory_space<vmem>>
        %dma_start3A_89 = arith.constant 0 : i32
        %dma_start3A_90 = tpu.memref_slice %arg2[%squeeze3A, %dma_start3A_89] : memref<1000000x64xf32, #tpu.memory_space<hbm>> -> memref<1x64xf32, #tpu.memory_space<hbm>>
        %dma_start3A_91 = tpu.memref_squeeze %dma_start3A_90 : memref<1x64xf32, #tpu.memory_space<hbm>> -> memref<64xf32, #tpu.memory_space<hbm>>
        tpu.enqueue_dma source(%dma_start3A_91 : memref<64xf32, #tpu.memory_space<hbm>>) target(%dma_start3A_88 : memref<64xf32, #tpu.memory_space<vmem>>) target_semaphore(%arg8 : memref<!tpu.dma_semaphore, #tpu.memory_space<semaphore_mem>>)
        %slice3A_92 = vector.extract_strided_slice %get3A_75 {offsets = [1], sizes = [1], strides = [1]} : vector<16xi32> to vector<1xi32>
        %squeeze3A_93 = vector.extract %slice3A_92[0] : i32 from vector<1xi32>
        %mul3A_94 = arith.constant 16 : i32
        %mul3A_95 = arith.muli %scan3A_68, %mul3A_94 : i32
        %add3A_96 = arith.constant 1 : i32
        %add3A_97 = arith.addi %mul3A_95, %add3A_96 : i32
        %dma_start3A_98 = arith.constant 0 : i32
        %dma_start3A_99 = tpu.memref_slice %arg6[%add3A_97, %dma_start3A_98] : memref<320x64xf32, #tpu.memory_space<vmem>> -> memref<1x64xf32, #tpu.memory_space<vmem>>
        %dma_start3A_100 = tpu.memref_squeeze %dma_start3A_99 : memref<1x64xf32, #tpu.memory_space<vmem>> -> memref<64xf32, #tpu.memory_space<vmem>>
        %dma_start3A_101 = arith.constant 0 : i32
        %dma_start3A_102 = tpu.memref_slice %arg2[%squeeze3A_93, %dma_start3A_101] : memref<1000000x64xf32, #tpu.memory_space<hbm>> -> memref<1x64xf32, #tpu.memory_space<hbm>>
        %dma_start3A_103 = tpu.memref_squeeze %dma_start3A_102 : memref<1x64xf32, #tpu.memory_space<hbm>> -> memref<64xf32, #tpu.memory_space<hbm>>
        %dma_start3A_104 = arith.constant 0 : i32
        %dma_start3A_105 = tpu.memref_slice %arg6[%add3A_97, %dma_start3A_104] : memref<320x64xf32, #tpu.memory_space<vmem>> -> memref<1x64xf32, #tpu.memory_space<vmem>>
        %dma_start3A_106 = tpu.memref_squeeze %dma_start3A_105 : memref<1x64xf32, #tpu.memory_space<vmem>> -> memref<64xf32, #tpu.memory_space<vmem>>
        %dma_start3A_107 = arith.constant 0 : i32
        %dma_start3A_108 = tpu.memref_slice %arg2[%squeeze3A_93, %dma_start3A_107] : memref<1000000x64xf32, #tpu.memory_space<hbm>> -> memref<1x64xf32, #tpu.memory_space<hbm>>
        %dma_start3A_109 = tpu.memref_squeeze %dma_start3A_108 : memref<1x64xf32, #tpu.memory_space<hbm>> -> memref<64xf32, #tpu.memory_space<hbm>>
        tpu.enqueue_dma source(%dma_start3A_109 : memref<64xf32, #tpu.memory_space<hbm>>) target(%dma_start3A_106 : memref<64xf32, #tpu.memory_space<vmem>>) target_semaphore(%arg8 : memref<!tpu.dma_semaphore, #tpu.memory_space<semaphore_mem>>)
        %slice3A_110 = vector.extract_strided_slice %get3A_75 {offsets = [2], sizes = [1], strides = [1]} : vector<16xi32> to vector<1xi32>
        %squeeze3A_111 = vector.extract %slice3A_110[0] : i32 from vector<1xi32>
        %mul3A_112 = arith.constant 16 : i32
        %mul3A_113 = arith.muli %scan3A_68, %mul3A_112 : i32
        %add3A_114 = arith.constant 2 : i32
        %add3A_115 = arith.addi %mul3A_113, %add3A_114 : i32
        %dma_start3A_116 = arith.constant 0 : i32
        %dma_start3A_117 = tpu.memref_slice %arg6[%add3A_115, %dma_start3A_116] : memref<320x64xf32, #tpu.memory_space<vmem>> -> memref<1x64xf32, #tpu.memory_space<vmem>>
        %dma_start3A_118 = tpu.memref_squeeze %dma_start3A_117 : memref<1x64xf32, #tpu.memory_space<vmem>> -> memref<64xf32, #tpu.memory_space<vmem>>
        %dma_start3A_119 = arith.constant 0 : i32
        %dma_start3A_120 = tpu.memref_slice %arg2[%squeeze3A_111, %dma_start3A_119] : memref<1000000x64xf32, #tpu.memory_space<hbm>> -> memref<1x64xf32, #tpu.memory_space<hbm>>
        %dma_start3A_121 = tpu.memref_squeeze %dma_start3A_120 : memref<1x64xf32, #tpu.memory_space<hbm>> -> memref<64xf32, #tpu.memory_space<hbm>>
        %dma_start3A_122 = arith.constant 0 : i32
        %dma_start3A_123 = tpu.memref_slice %arg6[%add3A_115, %dma_start3A_122] : memref<320x64xf32, #tpu.memory_space<vmem>> -> memref<1x64xf32, #tpu.memory_space<vmem>>
        %dma_start3A_124 = tpu.memref_squeeze %dma_start3A_123 : memref<1x64xf32, #tpu.memory_space<vmem>> -> memref<64xf32, #tpu.memory_space<vmem>>
        %dma_start3A_125 = arith.constant 0 : i32
        %dma_start3A_126 = tpu.memref_slice %arg2[%squeeze3A_111, %dma_start3A_125] : memref<1000000x64xf32, #tpu.memory_space<hbm>> -> memref<1x64xf32, #tpu.memory_space<hbm>>
        %dma_start3A_127 = tpu.memref_squeeze %dma_start3A_126 : memref<1x64xf32, #tpu.memory_space<hbm>> -> memref<64xf32, #tpu.memory_space<hbm>>
        tpu.enqueue_dma source(%dma_start3A_127 : memref<64xf32, #tpu.memory_space<hbm>>) target(%dma_start3A_124 : memref<64xf32, #tpu.memory_space<vmem>>) target_semaphore(%arg8 : memref<!tpu.dma_semaphore, #tpu.memory_space<semaphore_mem>>)
        %slice3A_128 = vector.extract_strided_slice %get3A_75 {offsets = [3], sizes = [1], strides = [1]} : vector<16xi32> to vector<1xi32>
        %squeeze3A_129 = vector.extract %slice3A_128[0] : i32 from vector<1xi32>
        %mul3A_130 = arith.constant 16 : i32
        %mul3A_131 = arith.muli %scan3A_68, %mul3A_130 : i32
        %add3A_132 = arith.constant 3 : i32
        %add3A_133 = arith.addi %mul3A_131, %add3A_132 : i32
        %dma_start3A_134 = arith.constant 0 : i32
        %dma_start3A_135 = tpu.memref_slice %arg6[%add3A_133, %dma_start3A_134] : memref<320x64xf32, #tpu.memory_space<vmem>> -> memref<1x64xf32, #tpu.memory_space<vmem>>
        %dma_start3A_136 = tpu.memref_squeeze %dma_start3A_135 : memref<1x64xf32, #tpu.memory_space<vmem>> -> memref<64xf32, #tpu.memory_space<vmem>>
        %dma_start3A_137 = arith.constant 0 : i32
        %dma_start3A_138 = tpu.memref_slice %arg2[%squeeze3A_129, %dma_start3A_137] : memref<1000000x64xf32, #tpu.memory_space<hbm>> -> memref<1x64xf32, #tpu.memory_space<hbm>>
        %dma_start3A_139 = tpu.memref_squeeze %dma_start3A_138 : memref<1x64xf32, #tpu.memory_space<hbm>> -> memref<64xf32, #tpu.memory_space<hbm>>
        %dma_start3A_140 = arith.constant 0 : i32
        %dma_start3A_141 = tpu.memref_slice %arg6[%add3A_133, %dma_start3A_140] : memref<320x64xf32, #tpu.memory_space<vmem>> -> memref<1x64xf32, #tpu.memory_space<vmem>>
        %dma_start3A_142 = tpu.memref_squeeze %dma_start3A_141 : memref<1x64xf32, #tpu.memory_space<vmem>> -> memref<64xf32, #tpu.memory_space<vmem>>
        %dma_start3A_143 = arith.constant 0 : i32
        %dma_start3A_144 = tpu.memref_slice %arg2[%squeeze3A_129, %dma_start3A_143] : memref<1000000x64xf32, #tpu.memory_space<hbm>> -> memref<1x64xf32, #tpu.memory_space<hbm>>
        %dma_start3A_145 = tpu.memref_squeeze %dma_start3A_144 : memref<1x64xf32, #tpu.memory_space<hbm>> -> memref<64xf32, #tpu.memory_space<hbm>>
        tpu.enqueue_dma source(%dma_start3A_145 : memref<64xf32, #tpu.memory_space<hbm>>) target(%dma_start3A_142 : memref<64xf32, #tpu.memory_space<vmem>>) target_semaphore(%arg8 : memref<!tpu.dma_semaphore, #tpu.memory_space<semaphore_mem>>)
        %slice3A_146 = vector.extract_strided_slice %get3A_75 {offsets = [4], sizes = [1], strides = [1]} : vector<16xi32> to vector<1xi32>
        %squeeze3A_147 = vector.extract %slice3A_146[0] : i32 from vector<1xi32>
        %mul3A_148 = arith.constant 16 : i32
        %mul3A_149 = arith.muli %scan3A_68, %mul3A_148 : i32
        %add3A_150 = arith.constant 4 : i32
        %add3A_151 = arith.addi %mul3A_149, %add3A_150 : i32
        %dma_start3A_152 = arith.constant 0 : i32
        %dma_start3A_153 = tpu.memref_slice %arg6[%add3A_151, %dma_start3A_152] : memref<320x64xf32, #tpu.memory_space<vmem>> -> memref<1x64xf32, #tpu.memory_space<vmem>>
        %dma_start3A_154 = tpu.memref_squeeze %dma_start3A_153 : memref<1x64xf32, #tpu.memory_space<vmem>> -> memref<64xf32, #tpu.memory_space<vmem>>
        %dma_start3A_155 = arith.constant 0 : i32
        %dma_start3A_156 = tpu.memref_slice %arg2[%squeeze3A_147, %dma_start3A_155] : memref<1000000x64xf32, #tpu.memory_space<hbm>> -> memref<1x64xf32, #tpu.memory_space<hbm>>
        %dma_start3A_157 = tpu.memref_squeeze %dma_start3A_156 : memref<1x64xf32, #tpu.memory_space<hbm>> -> memref<64xf32, #tpu.memory_space<hbm>>
        %dma_start3A_158 = arith.constant 0 : i32
        %dma_start3A_159 = tpu.memref_slice %arg6[%add3A_151, %dma_start3A_158] : memref<320x64xf32, #tpu.memory_space<vmem>> -> memref<1x64xf32, #tpu.memory_space<vmem>>
        %dma_start3A_160 = tpu.memref_squeeze %dma_start3A_159 : memref<1x64xf32, #tpu.memory_space<vmem>> -> memref<64xf32, #tpu.memory_space<vmem>>
        %dma_start3A_161 = arith.constant 0 : i32
        %dma_start3A_162 = tpu.memref_slice %arg2[%squeeze3A_147, %dma_start3A_161] : memref<1000000x64xf32, #tpu.memory_space<hbm>> -> memref<1x64xf32, #tpu.memory_space<hbm>>
        %dma_start3A_163 = tpu.memref_squeeze %dma_start3A_162 : memref<1x64xf32, #tpu.memory_space<hbm>> -> memref<64xf32, #tpu.memory_space<hbm>>
        tpu.enqueue_dma source(%dma_start3A_163 : memref<64xf32, #tpu.memory_space<hbm>>) target(%dma_start3A_160 : memref<64xf32, #tpu.memory_space<vmem>>) target_semaphore(%arg8 : memref<!tpu.dma_semaphore, #tpu.memory_space<semaphore_mem>>)
        %slice3A_164 = vector.extract_strided_slice %get3A_75 {offsets = [5], sizes = [1], strides = [1]} : vector<16xi32> to vector<1xi32>
        %squeeze3A_165 = vector.extract %slice3A_164[0] : i32 from vector<1xi32>
        %mul3A_166 = arith.constant 16 : i32
        %mul3A_167 = arith.muli %scan3A_68, %mul3A_166 : i32
        %add3A_168 = arith.constant 5 : i32
        %add3A_169 = arith.addi %mul3A_167, %add3A_168 : i32
        %dma_start3A_170 = arith.constant 0 : i32
        %dma_start3A_171 = tpu.memref_slice %arg6[%add3A_169, %dma_start3A_170] : memref<320x64xf32, #tpu.memory_space<vmem>> -> memref<1x64xf32, #tpu.memory_space<vmem>>
        %dma_start3A_172 = tpu.memref_squeeze %dma_start3A_171 : memref<1x64xf32, #tpu.memory_space<vmem>> -> memref<64xf32, #tpu.memory_space<vmem>>
        %dma_start3A_173 = arith.constant 0 : i32
        %dma_start3A_174 = tpu.memref_slice %arg2[%squeeze3A_165, %dma_start3A_173] : memref<1000000x64xf32, #tpu.memory_space<hbm>> -> memref<1x64xf32, #tpu.memory_space<hbm>>
        %dma_start3A_175 = tpu.memref_squeeze %dma_start3A_174 : memref<1x64xf32, #tpu.memory_space<hbm>> -> memref<64xf32, #tpu.memory_space<hbm>>
        %dma_start3A_176 = arith.constant 0 : i32
        %dma_start3A_177 = tpu.memref_slice %arg6[%add3A_169, %dma_start3A_176] : memref<320x64xf32, #tpu.memory_space<vmem>> -> memref<1x64xf32, #tpu.memory_space<vmem>>
        %dma_start3A_178 = tpu.memref_squeeze %dma_start3A_177 : memref<1x64xf32, #tpu.memory_space<vmem>> -> memref<64xf32, #tpu.memory_space<vmem>>
        %dma_start3A_179 = arith.constant 0 : i32
        %dma_start3A_180 = tpu.memref_slice %arg2[%squeeze3A_165, %dma_start3A_179] : memref<1000000x64xf32, #tpu.memory_space<hbm>> -> memref<1x64xf32, #tpu.memory_space<hbm>>
        %dma_start3A_181 = tpu.memref_squeeze %dma_start3A_180 : memref<1x64xf32, #tpu.memory_space<hbm>> -> memref<64xf32, #tpu.memory_space<hbm>>
        tpu.enqueue_dma source(%dma_start3A_181 : memref<64xf32, #tpu.memory_space<hbm>>) target(%dma_start3A_178 : memref<64xf32, #tpu.memory_space<vmem>>) target_semaphore(%arg8 : memref<!tpu.dma_semaphore, #tpu.memory_space<semaphore_mem>>)
        %slice3A_182 = vector.extract_strided_slice %get3A_75 {offsets = [6], sizes = [1], strides = [1]} : vector<16xi32> to vector<1xi32>
        %squeeze3A_183 = vector.extract %slice3A_182[0] : i32 from vector<1xi32>
        %mul3A_184 = arith.constant 16 : i32
        %mul3A_185 = arith.muli %scan3A_68, %mul3A_184 : i32
        %add3A_186 = arith.constant 6 : i32
        %add3A_187 = arith.addi %mul3A_185, %add3A_186 : i32
        %dma_start3A_188 = arith.constant 0 : i32
        %dma_start3A_189 = tpu.memref_slice %arg6[%add3A_187, %dma_start3A_188] : memref<320x64xf32, #tpu.memory_space<vmem>> -> memref<1x64xf32, #tpu.memory_space<vmem>>
        %dma_start3A_190 = tpu.memref_squeeze %dma_start3A_189 : memref<1x64xf32, #tpu.memory_space<vmem>> -> memref<64xf32, #tpu.memory_space<vmem>>
        %dma_start3A_191 = arith.constant 0 : i32
        %dma_start3A_192 = tpu.memref_slice %arg2[%squeeze3A_183, %dma_start3A_191] : memref<1000000x64xf32, #tpu.memory_space<hbm>> -> memref<1x64xf32, #tpu.memory_space<hbm>>
        %dma_start3A_193 = tpu.memref_squeeze %dma_start3A_192 : memref<1x64xf32, #tpu.memory_space<hbm>> -> memref<64xf32, #tpu.memory_space<hbm>>
        %dma_start3A_194 = arith.constant 0 : i32
        %dma_start3A_195 = tpu.memref_slice %arg6[%add3A_187, %dma_start3A_194] : memref<320x64xf32, #tpu.memory_space<vmem>> -> memref<1x64xf32, #tpu.memory_space<vmem>>
        %dma_start3A_196 = tpu.memref_squeeze %dma_start3A_195 : memref<1x64xf32, #tpu.memory_space<vmem>> -> memref<64xf32, #tpu.memory_space<vmem>>
        %dma_start3A_197 = arith.constant 0 : i32
        %dma_start3A_198 = tpu.memref_slice %arg2[%squeeze3A_183, %dma_start3A_197] : memref<1000000x64xf32, #tpu.memory_space<hbm>> -> memref<1x64xf32, #tpu.memory_space<hbm>>
        %dma_start3A_199 = tpu.memref_squeeze %dma_start3A_198 : memref<1x64xf32, #tpu.memory_space<hbm>> -> memref<64xf32, #tpu.memory_space<hbm>>
        tpu.enqueue_dma source(%dma_start3A_199 : memref<64xf32, #tpu.memory_space<hbm>>) target(%dma_start3A_196 : memref<64xf32, #tpu.memory_space<vmem>>) target_semaphore(%arg8 : memref<!tpu.dma_semaphore, #tpu.memory_space<semaphore_mem>>)
        %slice3A_200 = vector.extract_strided_slice %get3A_75 {offsets = [7], sizes = [1], strides = [1]} : vector<16xi32> to vector<1xi32>
        %squeeze3A_201 = vector.extract %slice3A_200[0] : i32 from vector<1xi32>
        %mul3A_202 = arith.constant 16 : i32
        %mul3A_203 = arith.muli %scan3A_68, %mul3A_202 : i32
        %add3A_204 = arith.constant 7 : i32
        %add3A_205 = arith.addi %mul3A_203, %add3A_204 : i32
        %dma_start3A_206 = arith.constant 0 : i32
        %dma_start3A_207 = tpu.memref_slice %arg6[%add3A_205, %dma_start3A_206] : memref<320x64xf32, #tpu.memory_space<vmem>> -> memref<1x64xf32, #tpu.memory_space<vmem>>
        %dma_start3A_208 = tpu.memref_squeeze %dma_start3A_207 : memref<1x64xf32, #tpu.memory_space<vmem>> -> memref<64xf32, #tpu.memory_space<vmem>>
        %dma_start3A_209 = arith.constant 0 : i32
        %dma_start3A_210 = tpu.memref_slice %arg2[%squeeze3A_201, %dma_start3A_209] : memref<1000000x64xf32, #tpu.memory_space<hbm>> -> memref<1x64xf32, #tpu.memory_space<hbm>>
        %dma_start3A_211 = tpu.memref_squeeze %dma_start3A_210 : memref<1x64xf32, #tpu.memory_space<hbm>> -> memref<64xf32, #tpu.memory_space<hbm>>
        %dma_start3A_212 = arith.constant 0 : i32
        %dma_start3A_213 = tpu.memref_slice %arg6[%add3A_205, %dma_start3A_212] : memref<320x64xf32, #tpu.memory_space<vmem>> -> memref<1x64xf32, #tpu.memory_space<vmem>>
        %dma_start3A_214 = tpu.memref_squeeze %dma_start3A_213 : memref<1x64xf32, #tpu.memory_space<vmem>> -> memref<64xf32, #tpu.memory_space<vmem>>
        %dma_start3A_215 = arith.constant 0 : i32
        %dma_start3A_216 = tpu.memref_slice %arg2[%squeeze3A_201, %dma_start3A_215] : memref<1000000x64xf32, #tpu.memory_space<hbm>> -> memref<1x64xf32, #tpu.memory_space<hbm>>
        %dma_start3A_217 = tpu.memref_squeeze %dma_start3A_216 : memref<1x64xf32, #tpu.memory_space<hbm>> -> memref<64xf32, #tpu.memory_space<hbm>>
        tpu.enqueue_dma source(%dma_start3A_217 : memref<64xf32, #tpu.memory_space<hbm>>) target(%dma_start3A_214 : memref<64xf32, #tpu.memory_space<vmem>>) target_semaphore(%arg8 : memref<!tpu.dma_semaphore, #tpu.memory_space<semaphore_mem>>)
        %slice3A_218 = vector.extract_strided_slice %get3A_75 {offsets = [8], sizes = [1], strides = [1]} : vector<16xi32> to vector<1xi32>
        %squeeze3A_219 = vector.extract %slice3A_218[0] : i32 from vector<1xi32>
        %mul3A_220 = arith.constant 16 : i32
        %mul3A_221 = arith.muli %scan3A_68, %mul3A_220 : i32
        %add3A_222 = arith.constant 8 : i32
        %add3A_223 = arith.addi %mul3A_221, %add3A_222 : i32
        %dma_start3A_224 = arith.constant 0 : i32
        %dma_start3A_225 = tpu.memref_slice %arg6[%add3A_223, %dma_start3A_224] : memref<320x64xf32, #tpu.memory_space<vmem>> -> memref<1x64xf32, #tpu.memory_space<vmem>>
        %dma_start3A_226 = tpu.memref_squeeze %dma_start3A_225 : memref<1x64xf32, #tpu.memory_space<vmem>> -> memref<64xf32, #tpu.memory_space<vmem>>
        %dma_start3A_227 = arith.constant 0 : i32
        %dma_start3A_228 = tpu.memref_slice %arg2[%squeeze3A_219, %dma_start3A_227] : memref<1000000x64xf32, #tpu.memory_space<hbm>> -> memref<1x64xf32, #tpu.memory_space<hbm>>
        %dma_start3A_229 = tpu.memref_squeeze %dma_start3A_228 : memref<1x64xf32, #tpu.memory_space<hbm>> -> memref<64xf32, #tpu.memory_space<hbm>>
        %dma_start3A_230 = arith.constant 0 : i32
        %dma_start3A_231 = tpu.memref_slice %arg6[%add3A_223, %dma_start3A_230] : memref<320x64xf32, #tpu.memory_space<vmem>> -> memref<1x64xf32, #tpu.memory_space<vmem>>
        %dma_start3A_232 = tpu.memref_squeeze %dma_start3A_231 : memref<1x64xf32, #tpu.memory_space<vmem>> -> memref<64xf32, #tpu.memory_space<vmem>>
        %dma_start3A_233 = arith.constant 0 : i32
        %dma_start3A_234 = tpu.memref_slice %arg2[%squeeze3A_219, %dma_start3A_233] : memref<1000000x64xf32, #tpu.memory_space<hbm>> -> memref<1x64xf32, #tpu.memory_space<hbm>>
        %dma_start3A_235 = tpu.memref_squeeze %dma_start3A_234 : memref<1x64xf32, #tpu.memory_space<hbm>> -> memref<64xf32, #tpu.memory_space<hbm>>
        tpu.enqueue_dma source(%dma_start3A_235 : memref<64xf32, #tpu.memory_space<hbm>>) target(%dma_start3A_232 : memref<64xf32, #tpu.memory_space<vmem>>) target_semaphore(%arg8 : memref<!tpu.dma_semaphore, #tpu.memory_space<semaphore_mem>>)
        %slice3A_236 = vector.extract_strided_slice %get3A_75 {offsets = [9], sizes = [1], strides = [1]} : vector<16xi32> to vector<1xi32>
        %squeeze3A_237 = vector.extract %slice3A_236[0] : i32 from vector<1xi32>
        %mul3A_238 = arith.constant 16 : i32
        %mul3A_239 = arith.muli %scan3A_68, %mul3A_238 : i32
        %add3A_240 = arith.constant 9 : i32
        %add3A_241 = arith.addi %mul3A_239, %add3A_240 : i32
        %dma_start3A_242 = arith.constant 0 : i32
        %dma_start3A_243 = tpu.memref_slice %arg6[%add3A_241, %dma_start3A_242] : memref<320x64xf32, #tpu.memory_space<vmem>> -> memref<1x64xf32, #tpu.memory_space<vmem>>
        %dma_start3A_244 = tpu.memref_squeeze %dma_start3A_243 : memref<1x64xf32, #tpu.memory_space<vmem>> -> memref<64xf32, #tpu.memory_space<vmem>>
        %dma_start3A_245 = arith.constant 0 : i32
        %dma_start3A_246 = tpu.memref_slice %arg2[%squeeze3A_237, %dma_start3A_245] : memref<1000000x64xf32, #tpu.memory_space<hbm>> -> memref<1x64xf32, #tpu.memory_space<hbm>>
        %dma_start3A_247 = tpu.memref_squeeze %dma_start3A_246 : memref<1x64xf32, #tpu.memory_space<hbm>> -> memref<64xf32, #tpu.memory_space<hbm>>
        %dma_start3A_248 = arith.constant 0 : i32
        %dma_start3A_249 = tpu.memref_slice %arg6[%add3A_241, %dma_start3A_248] : memref<320x64xf32, #tpu.memory_space<vmem>> -> memref<1x64xf32, #tpu.memory_space<vmem>>
        %dma_start3A_250 = tpu.memref_squeeze %dma_start3A_249 : memref<1x64xf32, #tpu.memory_space<vmem>> -> memref<64xf32, #tpu.memory_space<vmem>>
        %dma_start3A_251 = arith.constant 0 : i32
        %dma_start3A_252 = tpu.memref_slice %arg2[%squeeze3A_237, %dma_start3A_251] : memref<1000000x64xf32, #tpu.memory_space<hbm>> -> memref<1x64xf32, #tpu.memory_space<hbm>>
        %dma_start3A_253 = tpu.memref_squeeze %dma_start3A_252 : memref<1x64xf32, #tpu.memory_space<hbm>> -> memref<64xf32, #tpu.memory_space<hbm>>
        tpu.enqueue_dma source(%dma_start3A_253 : memref<64xf32, #tpu.memory_space<hbm>>) target(%dma_start3A_250 : memref<64xf32, #tpu.memory_space<vmem>>) target_semaphore(%arg8 : memref<!tpu.dma_semaphore, #tpu.memory_space<semaphore_mem>>)
        %slice3A_254 = vector.extract_strided_slice %get3A_75 {offsets = [10], sizes = [1], strides = [1]} : vector<16xi32> to vector<1xi32>
        %squeeze3A_255 = vector.extract %slice3A_254[0] : i32 from vector<1xi32>
        %mul3A_256 = arith.constant 16 : i32
        %mul3A_257 = arith.muli %scan3A_68, %mul3A_256 : i32
        %add3A_258 = arith.constant 10 : i32
        %add3A_259 = arith.addi %mul3A_257, %add3A_258 : i32
        %dma_start3A_260 = arith.constant 0 : i32
        %dma_start3A_261 = tpu.memref_slice %arg6[%add3A_259, %dma_start3A_260] : memref<320x64xf32, #tpu.memory_space<vmem>> -> memref<1x64xf32, #tpu.memory_space<vmem>>
        %dma_start3A_262 = tpu.memref_squeeze %dma_start3A_261 : memref<1x64xf32, #tpu.memory_space<vmem>> -> memref<64xf32, #tpu.memory_space<vmem>>
        %dma_start3A_263 = arith.constant 0 : i32
        %dma_start3A_264 = tpu.memref_slice %arg2[%squeeze3A_255, %dma_start3A_263] : memref<1000000x64xf32, #tpu.memory_space<hbm>> -> memref<1x64xf32, #tpu.memory_space<hbm>>
        %dma_start3A_265 = tpu.memref_squeeze %dma_start3A_264 : memref<1x64xf32, #tpu.memory_space<hbm>> -> memref<64xf32, #tpu.memory_space<hbm>>
        %dma_start3A_266 = arith.constant 0 : i32
        %dma_start3A_267 = tpu.memref_slice %arg6[%add3A_259, %dma_start3A_266] : memref<320x64xf32, #tpu.memory_space<vmem>> -> memref<1x64xf32, #tpu.memory_space<vmem>>
        %dma_start3A_268 = tpu.memref_squeeze %dma_start3A_267 : memref<1x64xf32, #tpu.memory_space<vmem>> -> memref<64xf32, #tpu.memory_space<vmem>>
        %dma_start3A_269 = arith.constant 0 : i32
        %dma_start3A_270 = tpu.memref_slice %arg2[%squeeze3A_255, %dma_start3A_269] : memref<1000000x64xf32, #tpu.memory_space<hbm>> -> memref<1x64xf32, #tpu.memory_space<hbm>>
        %dma_start3A_271 = tpu.memref_squeeze %dma_start3A_270 : memref<1x64xf32, #tpu.memory_space<hbm>> -> memref<64xf32, #tpu.memory_space<hbm>>
        tpu.enqueue_dma source(%dma_start3A_271 : memref<64xf32, #tpu.memory_space<hbm>>) target(%dma_start3A_268 : memref<64xf32, #tpu.memory_space<vmem>>) target_semaphore(%arg8 : memref<!tpu.dma_semaphore, #tpu.memory_space<semaphore_mem>>)
        %slice3A_272 = vector.extract_strided_slice %get3A_75 {offsets = [11], sizes = [1], strides = [1]} : vector<16xi32> to vector<1xi32>
        %squeeze3A_273 = vector.extract %slice3A_272[0] : i32 from vector<1xi32>
        %mul3A_274 = arith.constant 16 : i32
        %mul3A_275 = arith.muli %scan3A_68, %mul3A_274 : i32
        %add3A_276 = arith.constant 11 : i32
        %add3A_277 = arith.addi %mul3A_275, %add3A_276 : i32
        %dma_start3A_278 = arith.constant 0 : i32
        %dma_start3A_279 = tpu.memref_slice %arg6[%add3A_277, %dma_start3A_278] : memref<320x64xf32, #tpu.memory_space<vmem>> -> memref<1x64xf32, #tpu.memory_space<vmem>>
        %dma_start3A_280 = tpu.memref_squeeze %dma_start3A_279 : memref<1x64xf32, #tpu.memory_space<vmem>> -> memref<64xf32, #tpu.memory_space<vmem>>
        %dma_start3A_281 = arith.constant 0 : i32
        %dma_start3A_282 = tpu.memref_slice %arg2[%squeeze3A_273, %dma_start3A_281] : memref<1000000x64xf32, #tpu.memory_space<hbm>> -> memref<1x64xf32, #tpu.memory_space<hbm>>
        %dma_start3A_283 = tpu.memref_squeeze %dma_start3A_282 : memref<1x64xf32, #tpu.memory_space<hbm>> -> memref<64xf32, #tpu.memory_space<hbm>>
        %dma_start3A_284 = arith.constant 0 : i32
        %dma_start3A_285 = tpu.memref_slice %arg6[%add3A_277, %dma_start3A_284] : memref<320x64xf32, #tpu.memory_space<vmem>> -> memref<1x64xf32, #tpu.memory_space<vmem>>
        %dma_start3A_286 = tpu.memref_squeeze %dma_start3A_285 : memref<1x64xf32, #tpu.memory_space<vmem>> -> memref<64xf32, #tpu.memory_space<vmem>>
        %dma_start3A_287 = arith.constant 0 : i32
        %dma_start3A_288 = tpu.memref_slice %arg2[%squeeze3A_273, %dma_start3A_287] : memref<1000000x64xf32, #tpu.memory_space<hbm>> -> memref<1x64xf32, #tpu.memory_space<hbm>>
        %dma_start3A_289 = tpu.memref_squeeze %dma_start3A_288 : memref<1x64xf32, #tpu.memory_space<hbm>> -> memref<64xf32, #tpu.memory_space<hbm>>
        tpu.enqueue_dma source(%dma_start3A_289 : memref<64xf32, #tpu.memory_space<hbm>>) target(%dma_start3A_286 : memref<64xf32, #tpu.memory_space<vmem>>) target_semaphore(%arg8 : memref<!tpu.dma_semaphore, #tpu.memory_space<semaphore_mem>>)
        %slice3A_290 = vector.extract_strided_slice %get3A_75 {offsets = [12], sizes = [1], strides = [1]} : vector<16xi32> to vector<1xi32>
        %squeeze3A_291 = vector.extract %slice3A_290[0] : i32 from vector<1xi32>
        %mul3A_292 = arith.constant 16 : i32
        %mul3A_293 = arith.muli %scan3A_68, %mul3A_292 : i32
        %add3A_294 = arith.constant 12 : i32
        %add3A_295 = arith.addi %mul3A_293, %add3A_294 : i32
        %dma_start3A_296 = arith.constant 0 : i32
        %dma_start3A_297 = tpu.memref_slice %arg6[%add3A_295, %dma_start3A_296] : memref<320x64xf32, #tpu.memory_space<vmem>> -> memref<1x64xf32, #tpu.memory_space<vmem>>
        %dma_start3A_298 = tpu.memref_squeeze %dma_start3A_297 : memref<1x64xf32, #tpu.memory_space<vmem>> -> memref<64xf32, #tpu.memory_space<vmem>>
        %dma_start3A_299 = arith.constant 0 : i32
        %dma_start3A_300 = tpu.memref_slice %arg2[%squeeze3A_291, %dma_start3A_299] : memref<1000000x64xf32, #tpu.memory_space<hbm>> -> memref<1x64xf32, #tpu.memory_space<hbm>>
        %dma_start3A_301 = tpu.memref_squeeze %dma_start3A_300 : memref<1x64xf32, #tpu.memory_space<hbm>> -> memref<64xf32, #tpu.memory_space<hbm>>
        %dma_start3A_302 = arith.constant 0 : i32
        %dma_start3A_303 = tpu.memref_slice %arg6[%add3A_295, %dma_start3A_302] : memref<320x64xf32, #tpu.memory_space<vmem>> -> memref<1x64xf32, #tpu.memory_space<vmem>>
        %dma_start3A_304 = tpu.memref_squeeze %dma_start3A_303 : memref<1x64xf32, #tpu.memory_space<vmem>> -> memref<64xf32, #tpu.memory_space<vmem>>
        %dma_start3A_305 = arith.constant 0 : i32
        %dma_start3A_306 = tpu.memref_slice %arg2[%squeeze3A_291, %dma_start3A_305] : memref<1000000x64xf32, #tpu.memory_space<hbm>> -> memref<1x64xf32, #tpu.memory_space<hbm>>
        %dma_start3A_307 = tpu.memref_squeeze %dma_start3A_306 : memref<1x64xf32, #tpu.memory_space<hbm>> -> memref<64xf32, #tpu.memory_space<hbm>>
        tpu.enqueue_dma source(%dma_start3A_307 : memref<64xf32, #tpu.memory_space<hbm>>) target(%dma_start3A_304 : memref<64xf32, #tpu.memory_space<vmem>>) target_semaphore(%arg8 : memref<!tpu.dma_semaphore, #tpu.memory_space<semaphore_mem>>)
        %slice3A_308 = vector.extract_strided_slice %get3A_75 {offsets = [13], sizes = [1], strides = [1]} : vector<16xi32> to vector<1xi32>
        %squeeze3A_309 = vector.extract %slice3A_308[0] : i32 from vector<1xi32>
        %mul3A_310 = arith.constant 16 : i32
        %mul3A_311 = arith.muli %scan3A_68, %mul3A_310 : i32
        %add3A_312 = arith.constant 13 : i32
        %add3A_313 = arith.addi %mul3A_311, %add3A_312 : i32
        %dma_start3A_314 = arith.constant 0 : i32
        %dma_start3A_315 = tpu.memref_slice %arg6[%add3A_313, %dma_start3A_314] : memref<320x64xf32, #tpu.memory_space<vmem>> -> memref<1x64xf32, #tpu.memory_space<vmem>>
        %dma_start3A_316 = tpu.memref_squeeze %dma_start3A_315 : memref<1x64xf32, #tpu.memory_space<vmem>> -> memref<64xf32, #tpu.memory_space<vmem>>
        %dma_start3A_317 = arith.constant 0 : i32
        %dma_start3A_318 = tpu.memref_slice %arg2[%squeeze3A_309, %dma_start3A_317] : memref<1000000x64xf32, #tpu.memory_space<hbm>> -> memref<1x64xf32, #tpu.memory_space<hbm>>
        %dma_start3A_319 = tpu.memref_squeeze %dma_start3A_318 : memref<1x64xf32, #tpu.memory_space<hbm>> -> memref<64xf32, #tpu.memory_space<hbm>>
        %dma_start3A_320 = arith.constant 0 : i32
        %dma_start3A_321 = tpu.memref_slice %arg6[%add3A_313, %dma_start3A_320] : memref<320x64xf32, #tpu.memory_space<vmem>> -> memref<1x64xf32, #tpu.memory_space<vmem>>
        %dma_start3A_322 = tpu.memref_squeeze %dma_start3A_321 : memref<1x64xf32, #tpu.memory_space<vmem>> -> memref<64xf32, #tpu.memory_space<vmem>>
        %dma_start3A_323 = arith.constant 0 : i32
        %dma_start3A_324 = tpu.memref_slice %arg2[%squeeze3A_309, %dma_start3A_323] : memref<1000000x64xf32, #tpu.memory_space<hbm>> -> memref<1x64xf32, #tpu.memory_space<hbm>>
        %dma_start3A_325 = tpu.memref_squeeze %dma_start3A_324 : memref<1x64xf32, #tpu.memory_space<hbm>> -> memref<64xf32, #tpu.memory_space<hbm>>
        tpu.enqueue_dma source(%dma_start3A_325 : memref<64xf32, #tpu.memory_space<hbm>>) target(%dma_start3A_322 : memref<64xf32, #tpu.memory_space<vmem>>) target_semaphore(%arg8 : memref<!tpu.dma_semaphore, #tpu.memory_space<semaphore_mem>>)
        %slice3A_326 = vector.extract_strided_slice %get3A_75 {offsets = [14], sizes = [1], strides = [1]} : vector<16xi32> to vector<1xi32>
        %squeeze3A_327 = vector.extract %slice3A_326[0] : i32 from vector<1xi32>
        %mul3A_328 = arith.constant 16 : i32
        %mul3A_329 = arith.muli %scan3A_68, %mul3A_328 : i32
        %add3A_330 = arith.constant 14 : i32
        %add3A_331 = arith.addi %mul3A_329, %add3A_330 : i32
        %dma_start3A_332 = arith.constant 0 : i32
        %dma_start3A_333 = tpu.memref_slice %arg6[%add3A_331, %dma_start3A_332] : memref<320x64xf32, #tpu.memory_space<vmem>> -> memref<1x64xf32, #tpu.memory_space<vmem>>
        %dma_start3A_334 = tpu.memref_squeeze %dma_start3A_333 : memref<1x64xf32, #tpu.memory_space<vmem>> -> memref<64xf32, #tpu.memory_space<vmem>>
        %dma_start3A_335 = arith.constant 0 : i32
        %dma_start3A_336 = tpu.memref_slice %arg2[%squeeze3A_327, %dma_start3A_335] : memref<1000000x64xf32, #tpu.memory_space<hbm>> -> memref<1x64xf32, #tpu.memory_space<hbm>>
        %dma_start3A_337 = tpu.memref_squeeze %dma_start3A_336 : memref<1x64xf32, #tpu.memory_space<hbm>> -> memref<64xf32, #tpu.memory_space<hbm>>
        %dma_start3A_338 = arith.constant 0 : i32
        %dma_start3A_339 = tpu.memref_slice %arg6[%add3A_331, %dma_start3A_338] : memref<320x64xf32, #tpu.memory_space<vmem>> -> memref<1x64xf32, #tpu.memory_space<vmem>>
        %dma_start3A_340 = tpu.memref_squeeze %dma_start3A_339 : memref<1x64xf32, #tpu.memory_space<vmem>> -> memref<64xf32, #tpu.memory_space<vmem>>
        %dma_start3A_341 = arith.constant 0 : i32
        %dma_start3A_342 = tpu.memref_slice %arg2[%squeeze3A_327, %dma_start3A_341] : memref<1000000x64xf32, #tpu.memory_space<hbm>> -> memref<1x64xf32, #tpu.memory_space<hbm>>
        %dma_start3A_343 = tpu.memref_squeeze %dma_start3A_342 : memref<1x64xf32, #tpu.memory_space<hbm>> -> memref<64xf32, #tpu.memory_space<hbm>>
        tpu.enqueue_dma source(%dma_start3A_343 : memref<64xf32, #tpu.memory_space<hbm>>) target(%dma_start3A_340 : memref<64xf32, #tpu.memory_space<vmem>>) target_semaphore(%arg8 : memref<!tpu.dma_semaphore, #tpu.memory_space<semaphore_mem>>)
        %slice3A_344 = vector.extract_strided_slice %get3A_75 {offsets = [15], sizes = [1], strides = [1]} : vector<16xi32> to vector<1xi32>
        %squeeze3A_345 = vector.extract %slice3A_344[0] : i32 from vector<1xi32>
        %mul3A_346 = arith.constant 16 : i32
        %mul3A_347 = arith.muli %scan3A_68, %mul3A_346 : i32
        %add3A_348 = arith.constant 15 : i32
        %add3A_349 = arith.addi %mul3A_347, %add3A_348 : i32
        %dma_start3A_350 = arith.constant 0 : i32
        %dma_start3A_351 = tpu.memref_slice %arg6[%add3A_349, %dma_start3A_350] : memref<320x64xf32, #tpu.memory_space<vmem>> -> memref<1x64xf32, #tpu.memory_space<vmem>>
        %dma_start3A_352 = tpu.memref_squeeze %dma_start3A_351 : memref<1x64xf32, #tpu.memory_space<vmem>> -> memref<64xf32, #tpu.memory_space<vmem>>
        %dma_start3A_353 = arith.constant 0 : i32
        %dma_start3A_354 = tpu.memref_slice %arg2[%squeeze3A_345, %dma_start3A_353] : memref<1000000x64xf32, #tpu.memory_space<hbm>> -> memref<1x64xf32, #tpu.memory_space<hbm>>
        %dma_start3A_355 = tpu.memref_squeeze %dma_start3A_354 : memref<1x64xf32, #tpu.memory_space<hbm>> -> memref<64xf32, #tpu.memory_space<hbm>>
        %dma_start3A_356 = arith.constant 0 : i32
        %dma_start3A_357 = tpu.memref_slice %arg6[%add3A_349, %dma_start3A_356] : memref<320x64xf32, #tpu.memory_space<vmem>> -> memref<1x64xf32, #tpu.memory_space<vmem>>
        %dma_start3A_358 = tpu.memref_squeeze %dma_start3A_357 : memref<1x64xf32, #tpu.memory_space<vmem>> -> memref<64xf32, #tpu.memory_space<vmem>>
        %dma_start3A_359 = arith.constant 0 : i32
        %dma_start3A_360 = tpu.memref_slice %arg2[%squeeze3A_345, %dma_start3A_359] : memref<1000000x64xf32, #tpu.memory_space<hbm>> -> memref<1x64xf32, #tpu.memory_space<hbm>>
        %dma_start3A_361 = tpu.memref_squeeze %dma_start3A_360 : memref<1x64xf32, #tpu.memory_space<hbm>> -> memref<64xf32, #tpu.memory_space<hbm>>
        tpu.enqueue_dma source(%dma_start3A_361 : memref<64xf32, #tpu.memory_space<hbm>>) target(%dma_start3A_358 : memref<64xf32, #tpu.memory_space<vmem>>) target_semaphore(%arg8 : memref<!tpu.dma_semaphore, #tpu.memory_space<semaphore_mem>>)
      }
      %scan3A_31 = arith.constant 20 : i32
      %gt3A_32 = arith.constant 0 : i32
      %gt3A_33 = arith.cmpi sgt, %scan3A_19, %gt3A_32 : i32
      %convert_element_type3A_34 = arith.extui %gt3A_33 : i1 to i32
      %cond3A_35 = arith.constant 0 : i32
      %cond3A_36 = arith.cmpi ne, %convert_element_type3A_34, %cond3A_35 : i32
      scf.if %cond3A_36 {
        %dma_wait3A_68 = arith.constant 0 : i32
        %dma_wait3A_69 = arith.constant 0 : i32
        %dma_wait3A_70 = tpu.memref_slice %arg4[%dma_wait3A_68, %dma_wait3A_69] : memref<819200x64xf32, #tpu.memory_space<hbm>> -> memref<320x64xf32, #tpu.memory_space<hbm>>
        %dma_wait3A_71 = arith.constant 0 : i32
        %dma_wait3A_72 = arith.constant 0 : i32
        %dma_wait3A_73 = tpu.memref_slice %arg4[%dma_wait3A_71, %dma_wait3A_72] : memref<819200x64xf32, #tpu.memory_space<hbm>> -> memref<320x64xf32, #tpu.memory_space<hbm>>
        tpu.wait_dma2 semaphore(%arg11 : memref<!tpu.dma_semaphore, #tpu.memory_space<semaphore_mem>>) src(%dma_wait3A_73 : memref<320x64xf32, #tpu.memory_space<hbm>>) dst(%arg7 : memref<320x64xf32, #tpu.memory_space<vmem>>)
      } else {
      }
      %scan3A_37 = arith.constant 0 : i32
      %scan3A_38 = arith.constant 0 : i32
      %scan3A_39 = arith.constant 20 : i32
      %scan3A_40 = arith.addi %scan3A_38, %scan3A_39 : i32
      %scan3A_41 = arith.constant 1 : i32
      scf.for %scan3A_68 = %scan3A_38 to %scan3A_40 step %scan3A_41  : i32 {
        %mul3A_69 = arith.constant 320 : i32
        %mul3A_70 = arith.muli %add3A_23, %mul3A_69 : i32
        %mul3A_71 = arith.constant 16 : i32
        %mul3A_72 = arith.muli %scan3A_68, %mul3A_71 : i32
        %add3A_73 = arith.addi %mul3A_70, %mul3A_72 : i32
        %get3A = arith.index_cast %add3A_73 : i32 to index
        %get3A_74 = tpu.vector_load %arg5[%get3A] {strides = array<i32>} : memref<25600xi32, #tpu.memory_space<vmem>>, vector<16xi32>,
        %get3A_75 = vector.shape_cast %get3A_74 : vector<16xi32> to vector<16xi32>
        %slice3A = vector.extract_strided_slice %get3A_75 {offsets = [0], sizes = [1], strides = [1]} : vector<16xi32> to vector<1xi32>
        %squeeze3A = vector.extract %slice3A[0] : i32 from vector<1xi32>
        %mul3A_76 = arith.constant 16 : i32
        %mul3A_77 = arith.muli %scan3A_68, %mul3A_76 : i32
        %add3A_78 = arith.constant 0 : i32
        %add3A_79 = arith.addi %mul3A_77, %add3A_78 : i32
        %dma_start3A_80 = arith.constant 0 : i32
        %dma_start3A_81 = tpu.memref_slice %arg7[%add3A_79, %dma_start3A_80] : memref<320x64xf32, #tpu.memory_space<vmem>> -> memref<1x64xf32, #tpu.memory_space<vmem>>
        %dma_start3A_82 = tpu.memref_squeeze %dma_start3A_81 : memref<1x64xf32, #tpu.memory_space<vmem>> -> memref<64xf32, #tpu.memory_space<vmem>>
        %dma_start3A_83 = arith.constant 0 : i32
        %dma_start3A_84 = tpu.memref_slice %arg2[%squeeze3A, %dma_start3A_83] : memref<1000000x64xf32, #tpu.memory_space<hbm>> -> memref<1x64xf32, #tpu.memory_space<hbm>>
        %dma_start3A_85 = tpu.memref_squeeze %dma_start3A_84 : memref<1x64xf32, #tpu.memory_space<hbm>> -> memref<64xf32, #tpu.memory_space<hbm>>
        %dma_start3A_86 = arith.constant 0 : i32
        %dma_start3A_87 = tpu.memref_slice %arg7[%add3A_79, %dma_start3A_86] : memref<320x64xf32, #tpu.memory_space<vmem>> -> memref<1x64xf32, #tpu.memory_space<vmem>>
        %dma_start3A_88 = tpu.memref_squeeze %dma_start3A_87 : memref<1x64xf32, #tpu.memory_space<vmem>> -> memref<64xf32, #tpu.memory_space<vmem>>
        %dma_start3A_89 = arith.constant 0 : i32
        %dma_start3A_90 = tpu.memref_slice %arg2[%squeeze3A, %dma_start3A_89] : memref<1000000x64xf32, #tpu.memory_space<hbm>> -> memref<1x64xf32, #tpu.memory_space<hbm>>
        %dma_start3A_91 = tpu.memref_squeeze %dma_start3A_90 : memref<1x64xf32, #tpu.memory_space<hbm>> -> memref<64xf32, #tpu.memory_space<hbm>>
        tpu.enqueue_dma source(%dma_start3A_91 : memref<64xf32, #tpu.memory_space<hbm>>) target(%dma_start3A_88 : memref<64xf32, #tpu.memory_space<vmem>>) target_semaphore(%arg9 : memref<!tpu.dma_semaphore, #tpu.memory_space<semaphore_mem>>)
        %slice3A_92 = vector.extract_strided_slice %get3A_75 {offsets = [1], sizes = [1], strides = [1]} : vector<16xi32> to vector<1xi32>
        %squeeze3A_93 = vector.extract %slice3A_92[0] : i32 from vector<1xi32>
        %mul3A_94 = arith.constant 16 : i32
        %mul3A_95 = arith.muli %scan3A_68, %mul3A_94 : i32
        %add3A_96 = arith.constant 1 : i32
        %add3A_97 = arith.addi %mul3A_95, %add3A_96 : i32
        %dma_start3A_98 = arith.constant 0 : i32
        %dma_start3A_99 = tpu.memref_slice %arg7[%add3A_97, %dma_start3A_98] : memref<320x64xf32, #tpu.memory_space<vmem>> -> memref<1x64xf32, #tpu.memory_space<vmem>>
        %dma_start3A_100 = tpu.memref_squeeze %dma_start3A_99 : memref<1x64xf32, #tpu.memory_space<vmem>> -> memref<64xf32, #tpu.memory_space<vmem>>
        %dma_start3A_101 = arith.constant 0 : i32
        %dma_start3A_102 = tpu.memref_slice %arg2[%squeeze3A_93, %dma_start3A_101] : memref<1000000x64xf32, #tpu.memory_space<hbm>> -> memref<1x64xf32, #tpu.memory_space<hbm>>
        %dma_start3A_103 = tpu.memref_squeeze %dma_start3A_102 : memref<1x64xf32, #tpu.memory_space<hbm>> -> memref<64xf32, #tpu.memory_space<hbm>>
        %dma_start3A_104 = arith.constant 0 : i32
        %dma_start3A_105 = tpu.memref_slice %arg7[%add3A_97, %dma_start3A_104] : memref<320x64xf32, #tpu.memory_space<vmem>> -> memref<1x64xf32, #tpu.memory_space<vmem>>
        %dma_start3A_106 = tpu.memref_squeeze %dma_start3A_105 : memref<1x64xf32, #tpu.memory_space<vmem>> -> memref<64xf32, #tpu.memory_space<vmem>>
        %dma_start3A_107 = arith.constant 0 : i32
        %dma_start3A_108 = tpu.memref_slice %arg2[%squeeze3A_93, %dma_start3A_107] : memref<1000000x64xf32, #tpu.memory_space<hbm>> -> memref<1x64xf32, #tpu.memory_space<hbm>>
        %dma_start3A_109 = tpu.memref_squeeze %dma_start3A_108 : memref<1x64xf32, #tpu.memory_space<hbm>> -> memref<64xf32, #tpu.memory_space<hbm>>
        tpu.enqueue_dma source(%dma_start3A_109 : memref<64xf32, #tpu.memory_space<hbm>>) target(%dma_start3A_106 : memref<64xf32, #tpu.memory_space<vmem>>) target_semaphore(%arg9 : memref<!tpu.dma_semaphore, #tpu.memory_space<semaphore_mem>>)
        %slice3A_110 = vector.extract_strided_slice %get3A_75 {offsets = [2], sizes = [1], strides = [1]} : vector<16xi32> to vector<1xi32>
        %squeeze3A_111 = vector.extract %slice3A_110[0] : i32 from vector<1xi32>
        %mul3A_112 = arith.constant 16 : i32
        %mul3A_113 = arith.muli %scan3A_68, %mul3A_112 : i32
        %add3A_114 = arith.constant 2 : i32
        %add3A_115 = arith.addi %mul3A_113, %add3A_114 : i32
        %dma_start3A_116 = arith.constant 0 : i32
        %dma_start3A_117 = tpu.memref_slice %arg7[%add3A_115, %dma_start3A_116] : memref<320x64xf32, #tpu.memory_space<vmem>> -> memref<1x64xf32, #tpu.memory_space<vmem>>
        %dma_start3A_118 = tpu.memref_squeeze %dma_start3A_117 : memref<1x64xf32, #tpu.memory_space<vmem>> -> memref<64xf32, #tpu.memory_space<vmem>>
        %dma_start3A_119 = arith.constant 0 : i32
        %dma_start3A_120 = tpu.memref_slice %arg2[%squeeze3A_111, %dma_start3A_119] : memref<1000000x64xf32, #tpu.memory_space<hbm>> -> memref<1x64xf32, #tpu.memory_space<hbm>>
        %dma_start3A_121 = tpu.memref_squeeze %dma_start3A_120 : memref<1x64xf32, #tpu.memory_space<hbm>> -> memref<64xf32, #tpu.memory_space<hbm>>
        %dma_start3A_122 = arith.constant 0 : i32
        %dma_start3A_123 = tpu.memref_slice %arg7[%add3A_115, %dma_start3A_122] : memref<320x64xf32, #tpu.memory_space<vmem>> -> memref<1x64xf32, #tpu.memory_space<vmem>>
        %dma_start3A_124 = tpu.memref_squeeze %dma_start3A_123 : memref<1x64xf32, #tpu.memory_space<vmem>> -> memref<64xf32, #tpu.memory_space<vmem>>
        %dma_start3A_125 = arith.constant 0 : i32
        %dma_start3A_126 = tpu.memref_slice %arg2[%squeeze3A_111, %dma_start3A_125] : memref<1000000x64xf32, #tpu.memory_space<hbm>> -> memref<1x64xf32, #tpu.memory_space<hbm>>
        %dma_start3A_127 = tpu.memref_squeeze %dma_start3A_126 : memref<1x64xf32, #tpu.memory_space<hbm>> -> memref<64xf32, #tpu.memory_space<hbm>>
        tpu.enqueue_dma source(%dma_start3A_127 : memref<64xf32, #tpu.memory_space<hbm>>) target(%dma_start3A_124 : memref<64xf32, #tpu.memory_space<vmem>>) target_semaphore(%arg9 : memref<!tpu.dma_semaphore, #tpu.memory_space<semaphore_mem>>)
        %slice3A_128 = vector.extract_strided_slice %get3A_75 {offsets = [3], sizes = [1], strides = [1]} : vector<16xi32> to vector<1xi32>
        %squeeze3A_129 = vector.extract %slice3A_128[0] : i32 from vector<1xi32>
        %mul3A_130 = arith.constant 16 : i32
        %mul3A_131 = arith.muli %scan3A_68, %mul3A_130 : i32
        %add3A_132 = arith.constant 3 : i32
        %add3A_133 = arith.addi %mul3A_131, %add3A_132 : i32
        %dma_start3A_134 = arith.constant 0 : i32
        %dma_start3A_135 = tpu.memref_slice %arg7[%add3A_133, %dma_start3A_134] : memref<320x64xf32, #tpu.memory_space<vmem>> -> memref<1x64xf32, #tpu.memory_space<vmem>>
        %dma_start3A_136 = tpu.memref_squeeze %dma_start3A_135 : memref<1x64xf32, #tpu.memory_space<vmem>> -> memref<64xf32, #tpu.memory_space<vmem>>
        %dma_start3A_137 = arith.constant 0 : i32
        %dma_start3A_138 = tpu.memref_slice %arg2[%squeeze3A_129, %dma_start3A_137] : memref<1000000x64xf32, #tpu.memory_space<hbm>> -> memref<1x64xf32, #tpu.memory_space<hbm>>
        %dma_start3A_139 = tpu.memref_squeeze %dma_start3A_138 : memref<1x64xf32, #tpu.memory_space<hbm>> -> memref<64xf32, #tpu.memory_space<hbm>>
        %dma_start3A_140 = arith.constant 0 : i32
        %dma_start3A_141 = tpu.memref_slice %arg7[%add3A_133, %dma_start3A_140] : memref<320x64xf32, #tpu.memory_space<vmem>> -> memref<1x64xf32, #tpu.memory_space<vmem>>
        %dma_start3A_142 = tpu.memref_squeeze %dma_start3A_141 : memref<1x64xf32, #tpu.memory_space<vmem>> -> memref<64xf32, #tpu.memory_space<vmem>>
        %dma_start3A_143 = arith.constant 0 : i32
        %dma_start3A_144 = tpu.memref_slice %arg2[%squeeze3A_129, %dma_start3A_143] : memref<1000000x64xf32, #tpu.memory_space<hbm>> -> memref<1x64xf32, #tpu.memory_space<hbm>>
        %dma_start3A_145 = tpu.memref_squeeze %dma_start3A_144 : memref<1x64xf32, #tpu.memory_space<hbm>> -> memref<64xf32, #tpu.memory_space<hbm>>
        tpu.enqueue_dma source(%dma_start3A_145 : memref<64xf32, #tpu.memory_space<hbm>>) target(%dma_start3A_142 : memref<64xf32, #tpu.memory_space<vmem>>) target_semaphore(%arg9 : memref<!tpu.dma_semaphore, #tpu.memory_space<semaphore_mem>>)
        %slice3A_146 = vector.extract_strided_slice %get3A_75 {offsets = [4], sizes = [1], strides = [1]} : vector<16xi32> to vector<1xi32>
        %squeeze3A_147 = vector.extract %slice3A_146[0] : i32 from vector<1xi32>
        %mul3A_148 = arith.constant 16 : i32
        %mul3A_149 = arith.muli %scan3A_68, %mul3A_148 : i32
        %add3A_150 = arith.constant 4 : i32
        %add3A_151 = arith.addi %mul3A_149, %add3A_150 : i32
        %dma_start3A_152 = arith.constant 0 : i32
        %dma_start3A_153 = tpu.memref_slice %arg7[%add3A_151, %dma_start3A_152] : memref<320x64xf32, #tpu.memory_space<vmem>> -> memref<1x64xf32, #tpu.memory_space<vmem>>
        %dma_start3A_154 = tpu.memref_squeeze %dma_start3A_153 : memref<1x64xf32, #tpu.memory_space<vmem>> -> memref<64xf32, #tpu.memory_space<vmem>>
        %dma_start3A_155 = arith.constant 0 : i32
        %dma_start3A_156 = tpu.memref_slice %arg2[%squeeze3A_147, %dma_start3A_155] : memref<1000000x64xf32, #tpu.memory_space<hbm>> -> memref<1x64xf32, #tpu.memory_space<hbm>>
        %dma_start3A_157 = tpu.memref_squeeze %dma_start3A_156 : memref<1x64xf32, #tpu.memory_space<hbm>> -> memref<64xf32, #tpu.memory_space<hbm>>
        %dma_start3A_158 = arith.constant 0 : i32
        %dma_start3A_159 = tpu.memref_slice %arg7[%add3A_151, %dma_start3A_158] : memref<320x64xf32, #tpu.memory_space<vmem>> -> memref<1x64xf32, #tpu.memory_space<vmem>>
        %dma_start3A_160 = tpu.memref_squeeze %dma_start3A_159 : memref<1x64xf32, #tpu.memory_space<vmem>> -> memref<64xf32, #tpu.memory_space<vmem>>
        %dma_start3A_161 = arith.constant 0 : i32
        %dma_start3A_162 = tpu.memref_slice %arg2[%squeeze3A_147, %dma_start3A_161] : memref<1000000x64xf32, #tpu.memory_space<hbm>> -> memref<1x64xf32, #tpu.memory_space<hbm>>
        %dma_start3A_163 = tpu.memref_squeeze %dma_start3A_162 : memref<1x64xf32, #tpu.memory_space<hbm>> -> memref<64xf32, #tpu.memory_space<hbm>>
        tpu.enqueue_dma source(%dma_start3A_163 : memref<64xf32, #tpu.memory_space<hbm>>) target(%dma_start3A_160 : memref<64xf32, #tpu.memory_space<vmem>>) target_semaphore(%arg9 : memref<!tpu.dma_semaphore, #tpu.memory_space<semaphore_mem>>)
        %slice3A_164 = vector.extract_strided_slice %get3A_75 {offsets = [5], sizes = [1], strides = [1]} : vector<16xi32> to vector<1xi32>
        %squeeze3A_165 = vector.extract %slice3A_164[0] : i32 from vector<1xi32>
        %mul3A_166 = arith.constant 16 : i32
        %mul3A_167 = arith.muli %scan3A_68, %mul3A_166 : i32
        %add3A_168 = arith.constant 5 : i32
        %add3A_169 = arith.addi %mul3A_167, %add3A_168 : i32
        %dma_start3A_170 = arith.constant 0 : i32
        %dma_start3A_171 = tpu.memref_slice %arg7[%add3A_169, %dma_start3A_170] : memref<320x64xf32, #tpu.memory_space<vmem>> -> memref<1x64xf32, #tpu.memory_space<vmem>>
        %dma_start3A_172 = tpu.memref_squeeze %dma_start3A_171 : memref<1x64xf32, #tpu.memory_space<vmem>> -> memref<64xf32, #tpu.memory_space<vmem>>
        %dma_start3A_173 = arith.constant 0 : i32
        %dma_start3A_174 = tpu.memref_slice %arg2[%squeeze3A_165, %dma_start3A_173] : memref<1000000x64xf32, #tpu.memory_space<hbm>> -> memref<1x64xf32, #tpu.memory_space<hbm>>
        %dma_start3A_175 = tpu.memref_squeeze %dma_start3A_174 : memref<1x64xf32, #tpu.memory_space<hbm>> -> memref<64xf32, #tpu.memory_space<hbm>>
        %dma_start3A_176 = arith.constant 0 : i32
        %dma_start3A_177 = tpu.memref_slice %arg7[%add3A_169, %dma_start3A_176] : memref<320x64xf32, #tpu.memory_space<vmem>> -> memref<1x64xf32, #tpu.memory_space<vmem>>
        %dma_start3A_178 = tpu.memref_squeeze %dma_start3A_177 : memref<1x64xf32, #tpu.memory_space<vmem>> -> memref<64xf32, #tpu.memory_space<vmem>>
        %dma_start3A_179 = arith.constant 0 : i32
        %dma_start3A_180 = tpu.memref_slice %arg2[%squeeze3A_165, %dma_start3A_179] : memref<1000000x64xf32, #tpu.memory_space<hbm>> -> memref<1x64xf32, #tpu.memory_space<hbm>>
        %dma_start3A_181 = tpu.memref_squeeze %dma_start3A_180 : memref<1x64xf32, #tpu.memory_space<hbm>> -> memref<64xf32, #tpu.memory_space<hbm>>
        tpu.enqueue_dma source(%dma_start3A_181 : memref<64xf32, #tpu.memory_space<hbm>>) target(%dma_start3A_178 : memref<64xf32, #tpu.memory_space<vmem>>) target_semaphore(%arg9 : memref<!tpu.dma_semaphore, #tpu.memory_space<semaphore_mem>>)
        %slice3A_182 = vector.extract_strided_slice %get3A_75 {offsets = [6], sizes = [1], strides = [1]} : vector<16xi32> to vector<1xi32>
        %squeeze3A_183 = vector.extract %slice3A_182[0] : i32 from vector<1xi32>
        %mul3A_184 = arith.constant 16 : i32
        %mul3A_185 = arith.muli %scan3A_68, %mul3A_184 : i32
        %add3A_186 = arith.constant 6 : i32
        %add3A_187 = arith.addi %mul3A_185, %add3A_186 : i32
        %dma_start3A_188 = arith.constant 0 : i32
        %dma_start3A_189 = tpu.memref_slice %arg7[%add3A_187, %dma_start3A_188] : memref<320x64xf32, #tpu.memory_space<vmem>> -> memref<1x64xf32, #tpu.memory_space<vmem>>
        %dma_start3A_190 = tpu.memref_squeeze %dma_start3A_189 : memref<1x64xf32, #tpu.memory_space<vmem>> -> memref<64xf32, #tpu.memory_space<vmem>>
        %dma_start3A_191 = arith.constant 0 : i32
        %dma_start3A_192 = tpu.memref_slice %arg2[%squeeze3A_183, %dma_start3A_191] : memref<1000000x64xf32, #tpu.memory_space<hbm>> -> memref<1x64xf32, #tpu.memory_space<hbm>>
        %dma_start3A_193 = tpu.memref_squeeze %dma_start3A_192 : memref<1x64xf32, #tpu.memory_space<hbm>> -> memref<64xf32, #tpu.memory_space<hbm>>
        %dma_start3A_194 = arith.constant 0 : i32
        %dma_start3A_195 = tpu.memref_slice %arg7[%add3A_187, %dma_start3A_194] : memref<320x64xf32, #tpu.memory_space<vmem>> -> memref<1x64xf32, #tpu.memory_space<vmem>>
        %dma_start3A_196 = tpu.memref_squeeze %dma_start3A_195 : memref<1x64xf32, #tpu.memory_space<vmem>> -> memref<64xf32, #tpu.memory_space<vmem>>
        %dma_start3A_197 = arith.constant 0 : i32
        %dma_start3A_198 = tpu.memref_slice %arg2[%squeeze3A_183, %dma_start3A_197] : memref<1000000x64xf32, #tpu.memory_space<hbm>> -> memref<1x64xf32, #tpu.memory_space<hbm>>
        %dma_start3A_199 = tpu.memref_squeeze %dma_start3A_198 : memref<1x64xf32, #tpu.memory_space<hbm>> -> memref<64xf32, #tpu.memory_space<hbm>>
        tpu.enqueue_dma source(%dma_start3A_199 : memref<64xf32, #tpu.memory_space<hbm>>) target(%dma_start3A_196 : memref<64xf32, #tpu.memory_space<vmem>>) target_semaphore(%arg9 : memref<!tpu.dma_semaphore, #tpu.memory_space<semaphore_mem>>)
        %slice3A_200 = vector.extract_strided_slice %get3A_75 {offsets = [7], sizes = [1], strides = [1]} : vector<16xi32> to vector<1xi32>
        %squeeze3A_201 = vector.extract %slice3A_200[0] : i32 from vector<1xi32>
        %mul3A_202 = arith.constant 16 : i32
        %mul3A_203 = arith.muli %scan3A_68, %mul3A_202 : i32
        %add3A_204 = arith.constant 7 : i32
        %add3A_205 = arith.addi %mul3A_203, %add3A_204 : i32
        %dma_start3A_206 = arith.constant 0 : i32
        %dma_start3A_207 = tpu.memref_slice %arg7[%add3A_205, %dma_start3A_206] : memref<320x64xf32, #tpu.memory_space<vmem>> -> memref<1x64xf32, #tpu.memory_space<vmem>>
        %dma_start3A_208 = tpu.memref_squeeze %dma_start3A_207 : memref<1x64xf32, #tpu.memory_space<vmem>> -> memref<64xf32, #tpu.memory_space<vmem>>
        %dma_start3A_209 = arith.constant 0 : i32
        %dma_start3A_210 = tpu.memref_slice %arg2[%squeeze3A_201, %dma_start3A_209] : memref<1000000x64xf32, #tpu.memory_space<hbm>> -> memref<1x64xf32, #tpu.memory_space<hbm>>
        %dma_start3A_211 = tpu.memref_squeeze %dma_start3A_210 : memref<1x64xf32, #tpu.memory_space<hbm>> -> memref<64xf32, #tpu.memory_space<hbm>>
        %dma_start3A_212 = arith.constant 0 : i32
        %dma_start3A_213 = tpu.memref_slice %arg7[%add3A_205, %dma_start3A_212] : memref<320x64xf32, #tpu.memory_space<vmem>> -> memref<1x64xf32, #tpu.memory_space<vmem>>
        %dma_start3A_214 = tpu.memref_squeeze %dma_start3A_213 : memref<1x64xf32, #tpu.memory_space<vmem>> -> memref<64xf32, #tpu.memory_space<vmem>>
        %dma_start3A_215 = arith.constant 0 : i32
        %dma_start3A_216 = tpu.memref_slice %arg2[%squeeze3A_201, %dma_start3A_215] : memref<1000000x64xf32, #tpu.memory_space<hbm>> -> memref<1x64xf32, #tpu.memory_space<hbm>>
        %dma_start3A_217 = tpu.memref_squeeze %dma_start3A_216 : memref<1x64xf32, #tpu.memory_space<hbm>> -> memref<64xf32, #tpu.memory_space<hbm>>
        tpu.enqueue_dma source(%dma_start3A_217 : memref<64xf32, #tpu.memory_space<hbm>>) target(%dma_start3A_214 : memref<64xf32, #tpu.memory_space<vmem>>) target_semaphore(%arg9 : memref<!tpu.dma_semaphore, #tpu.memory_space<semaphore_mem>>)
        %slice3A_218 = vector.extract_strided_slice %get3A_75 {offsets = [8], sizes = [1], strides = [1]} : vector<16xi32> to vector<1xi32>
        %squeeze3A_219 = vector.extract %slice3A_218[0] : i32 from vector<1xi32>
        %mul3A_220 = arith.constant 16 : i32
        %mul3A_221 = arith.muli %scan3A_68, %mul3A_220 : i32
        %add3A_222 = arith.constant 8 : i32
        %add3A_223 = arith.addi %mul3A_221, %add3A_222 : i32
        %dma_start3A_224 = arith.constant 0 : i32
        %dma_start3A_225 = tpu.memref_slice %arg7[%add3A_223, %dma_start3A_224] : memref<320x64xf32, #tpu.memory_space<vmem>> -> memref<1x64xf32, #tpu.memory_space<vmem>>
        %dma_start3A_226 = tpu.memref_squeeze %dma_start3A_225 : memref<1x64xf32, #tpu.memory_space<vmem>> -> memref<64xf32, #tpu.memory_space<vmem>>
        %dma_start3A_227 = arith.constant 0 : i32
        %dma_start3A_228 = tpu.memref_slice %arg2[%squeeze3A_219, %dma_start3A_227] : memref<1000000x64xf32, #tpu.memory_space<hbm>> -> memref<1x64xf32, #tpu.memory_space<hbm>>
        %dma_start3A_229 = tpu.memref_squeeze %dma_start3A_228 : memref<1x64xf32, #tpu.memory_space<hbm>> -> memref<64xf32, #tpu.memory_space<hbm>>
        %dma_start3A_230 = arith.constant 0 : i32
        %dma_start3A_231 = tpu.memref_slice %arg7[%add3A_223, %dma_start3A_230] : memref<320x64xf32, #tpu.memory_space<vmem>> -> memref<1x64xf32, #tpu.memory_space<vmem>>
        %dma_start3A_232 = tpu.memref_squeeze %dma_start3A_231 : memref<1x64xf32, #tpu.memory_space<vmem>> -> memref<64xf32, #tpu.memory_space<vmem>>
        %dma_start3A_233 = arith.constant 0 : i32
        %dma_start3A_234 = tpu.memref_slice %arg2[%squeeze3A_219, %dma_start3A_233] : memref<1000000x64xf32, #tpu.memory_space<hbm>> -> memref<1x64xf32, #tpu.memory_space<hbm>>
        %dma_start3A_235 = tpu.memref_squeeze %dma_start3A_234 : memref<1x64xf32, #tpu.memory_space<hbm>> -> memref<64xf32, #tpu.memory_space<hbm>>
        tpu.enqueue_dma source(%dma_start3A_235 : memref<64xf32, #tpu.memory_space<hbm>>) target(%dma_start3A_232 : memref<64xf32, #tpu.memory_space<vmem>>) target_semaphore(%arg9 : memref<!tpu.dma_semaphore, #tpu.memory_space<semaphore_mem>>)
        %slice3A_236 = vector.extract_strided_slice %get3A_75 {offsets = [9], sizes = [1], strides = [1]} : vector<16xi32> to vector<1xi32>
        %squeeze3A_237 = vector.extract %slice3A_236[0] : i32 from vector<1xi32>
        %mul3A_238 = arith.constant 16 : i32
        %mul3A_239 = arith.muli %scan3A_68, %mul3A_238 : i32
        %add3A_240 = arith.constant 9 : i32
        %add3A_241 = arith.addi %mul3A_239, %add3A_240 : i32
        %dma_start3A_242 = arith.constant 0 : i32
        %dma_start3A_243 = tpu.memref_slice %arg7[%add3A_241, %dma_start3A_242] : memref<320x64xf32, #tpu.memory_space<vmem>> -> memref<1x64xf32, #tpu.memory_space<vmem>>
        %dma_start3A_244 = tpu.memref_squeeze %dma_start3A_243 : memref<1x64xf32, #tpu.memory_space<vmem>> -> memref<64xf32, #tpu.memory_space<vmem>>
        %dma_start3A_245 = arith.constant 0 : i32
        %dma_start3A_246 = tpu.memref_slice %arg2[%squeeze3A_237, %dma_start3A_245] : memref<1000000x64xf32, #tpu.memory_space<hbm>> -> memref<1x64xf32, #tpu.memory_space<hbm>>
        %dma_start3A_247 = tpu.memref_squeeze %dma_start3A_246 : memref<1x64xf32, #tpu.memory_space<hbm>> -> memref<64xf32, #tpu.memory_space<hbm>>
        %dma_start3A_248 = arith.constant 0 : i32
        %dma_start3A_249 = tpu.memref_slice %arg7[%add3A_241, %dma_start3A_248] : memref<320x64xf32, #tpu.memory_space<vmem>> -> memref<1x64xf32, #tpu.memory_space<vmem>>
        %dma_start3A_250 = tpu.memref_squeeze %dma_start3A_249 : memref<1x64xf32, #tpu.memory_space<vmem>> -> memref<64xf32, #tpu.memory_space<vmem>>
        %dma_start3A_251 = arith.constant 0 : i32
        %dma_start3A_252 = tpu.memref_slice %arg2[%squeeze3A_237, %dma_start3A_251] : memref<1000000x64xf32, #tpu.memory_space<hbm>> -> memref<1x64xf32, #tpu.memory_space<hbm>>
        %dma_start3A_253 = tpu.memref_squeeze %dma_start3A_252 : memref<1x64xf32, #tpu.memory_space<hbm>> -> memref<64xf32, #tpu.memory_space<hbm>>
        tpu.enqueue_dma source(%dma_start3A_253 : memref<64xf32, #tpu.memory_space<hbm>>) target(%dma_start3A_250 : memref<64xf32, #tpu.memory_space<vmem>>) target_semaphore(%arg9 : memref<!tpu.dma_semaphore, #tpu.memory_space<semaphore_mem>>)
        %slice3A_254 = vector.extract_strided_slice %get3A_75 {offsets = [10], sizes = [1], strides = [1]} : vector<16xi32> to vector<1xi32>
        %squeeze3A_255 = vector.extract %slice3A_254[0] : i32 from vector<1xi32>
        %mul3A_256 = arith.constant 16 : i32
        %mul3A_257 = arith.muli %scan3A_68, %mul3A_256 : i32
        %add3A_258 = arith.constant 10 : i32
        %add3A_259 = arith.addi %mul3A_257, %add3A_258 : i32
        %dma_start3A_260 = arith.constant 0 : i32
        %dma_start3A_261 = tpu.memref_slice %arg7[%add3A_259, %dma_start3A_260] : memref<320x64xf32, #tpu.memory_space<vmem>> -> memref<1x64xf32, #tpu.memory_space<vmem>>
        %dma_start3A_262 = tpu.memref_squeeze %dma_start3A_261 : memref<1x64xf32, #tpu.memory_space<vmem>> -> memref<64xf32, #tpu.memory_space<vmem>>
        %dma_start3A_263 = arith.constant 0 : i32
        %dma_start3A_264 = tpu.memref_slice %arg2[%squeeze3A_255, %dma_start3A_263] : memref<1000000x64xf32, #tpu.memory_space<hbm>> -> memref<1x64xf32, #tpu.memory_space<hbm>>
        %dma_start3A_265 = tpu.memref_squeeze %dma_start3A_264 : memref<1x64xf32, #tpu.memory_space<hbm>> -> memref<64xf32, #tpu.memory_space<hbm>>
        %dma_start3A_266 = arith.constant 0 : i32
        %dma_start3A_267 = tpu.memref_slice %arg7[%add3A_259, %dma_start3A_266] : memref<320x64xf32, #tpu.memory_space<vmem>> -> memref<1x64xf32, #tpu.memory_space<vmem>>
        %dma_start3A_268 = tpu.memref_squeeze %dma_start3A_267 : memref<1x64xf32, #tpu.memory_space<vmem>> -> memref<64xf32, #tpu.memory_space<vmem>>
        %dma_start3A_269 = arith.constant 0 : i32
        %dma_start3A_270 = tpu.memref_slice %arg2[%squeeze3A_255, %dma_start3A_269] : memref<1000000x64xf32, #tpu.memory_space<hbm>> -> memref<1x64xf32, #tpu.memory_space<hbm>>
        %dma_start3A_271 = tpu.memref_squeeze %dma_start3A_270 : memref<1x64xf32, #tpu.memory_space<hbm>> -> memref<64xf32, #tpu.memory_space<hbm>>
        tpu.enqueue_dma source(%dma_start3A_271 : memref<64xf32, #tpu.memory_space<hbm>>) target(%dma_start3A_268 : memref<64xf32, #tpu.memory_space<vmem>>) target_semaphore(%arg9 : memref<!tpu.dma_semaphore, #tpu.memory_space<semaphore_mem>>)
        %slice3A_272 = vector.extract_strided_slice %get3A_75 {offsets = [11], sizes = [1], strides = [1]} : vector<16xi32> to vector<1xi32>
        %squeeze3A_273 = vector.extract %slice3A_272[0] : i32 from vector<1xi32>
        %mul3A_274 = arith.constant 16 : i32
        %mul3A_275 = arith.muli %scan3A_68, %mul3A_274 : i32
        %add3A_276 = arith.constant 11 : i32
        %add3A_277 = arith.addi %mul3A_275, %add3A_276 : i32
        %dma_start3A_278 = arith.constant 0 : i32
        %dma_start3A_279 = tpu.memref_slice %arg7[%add3A_277, %dma_start3A_278] : memref<320x64xf32, #tpu.memory_space<vmem>> -> memref<1x64xf32, #tpu.memory_space<vmem>>
        %dma_start3A_280 = tpu.memref_squeeze %dma_start3A_279 : memref<1x64xf32, #tpu.memory_space<vmem>> -> memref<64xf32, #tpu.memory_space<vmem>>
        %dma_start3A_281 = arith.constant 0 : i32
        %dma_start3A_282 = tpu.memref_slice %arg2[%squeeze3A_273, %dma_start3A_281] : memref<1000000x64xf32, #tpu.memory_space<hbm>> -> memref<1x64xf32, #tpu.memory_space<hbm>>
        %dma_start3A_283 = tpu.memref_squeeze %dma_start3A_282 : memref<1x64xf32, #tpu.memory_space<hbm>> -> memref<64xf32, #tpu.memory_space<hbm>>
        %dma_start3A_284 = arith.constant 0 : i32
        %dma_start3A_285 = tpu.memref_slice %arg7[%add3A_277, %dma_start3A_284] : memref<320x64xf32, #tpu.memory_space<vmem>> -> memref<1x64xf32, #tpu.memory_space<vmem>>
        %dma_start3A_286 = tpu.memref_squeeze %dma_start3A_285 : memref<1x64xf32, #tpu.memory_space<vmem>> -> memref<64xf32, #tpu.memory_space<vmem>>
        %dma_start3A_287 = arith.constant 0 : i32
        %dma_start3A_288 = tpu.memref_slice %arg2[%squeeze3A_273, %dma_start3A_287] : memref<1000000x64xf32, #tpu.memory_space<hbm>> -> memref<1x64xf32, #tpu.memory_space<hbm>>
        %dma_start3A_289 = tpu.memref_squeeze %dma_start3A_288 : memref<1x64xf32, #tpu.memory_space<hbm>> -> memref<64xf32, #tpu.memory_space<hbm>>
        tpu.enqueue_dma source(%dma_start3A_289 : memref<64xf32, #tpu.memory_space<hbm>>) target(%dma_start3A_286 : memref<64xf32, #tpu.memory_space<vmem>>) target_semaphore(%arg9 : memref<!tpu.dma_semaphore, #tpu.memory_space<semaphore_mem>>)
        %slice3A_290 = vector.extract_strided_slice %get3A_75 {offsets = [12], sizes = [1], strides = [1]} : vector<16xi32> to vector<1xi32>
        %squeeze3A_291 = vector.extract %slice3A_290[0] : i32 from vector<1xi32>
        %mul3A_292 = arith.constant 16 : i32
        %mul3A_293 = arith.muli %scan3A_68, %mul3A_292 : i32
        %add3A_294 = arith.constant 12 : i32
        %add3A_295 = arith.addi %mul3A_293, %add3A_294 : i32
        %dma_start3A_296 = arith.constant 0 : i32
        %dma_start3A_297 = tpu.memref_slice %arg7[%add3A_295, %dma_start3A_296] : memref<320x64xf32, #tpu.memory_space<vmem>> -> memref<1x64xf32, #tpu.memory_space<vmem>>
        %dma_start3A_298 = tpu.memref_squeeze %dma_start3A_297 : memref<1x64xf32, #tpu.memory_space<vmem>> -> memref<64xf32, #tpu.memory_space<vmem>>
        %dma_start3A_299 = arith.constant 0 : i32
        %dma_start3A_300 = tpu.memref_slice %arg2[%squeeze3A_291, %dma_start3A_299] : memref<1000000x64xf32, #tpu.memory_space<hbm>> -> memref<1x64xf32, #tpu.memory_space<hbm>>
        %dma_start3A_301 = tpu.memref_squeeze %dma_start3A_300 : memref<1x64xf32, #tpu.memory_space<hbm>> -> memref<64xf32, #tpu.memory_space<hbm>>
        %dma_start3A_302 = arith.constant 0 : i32
        %dma_start3A_303 = tpu.memref_slice %arg7[%add3A_295, %dma_start3A_302] : memref<320x64xf32, #tpu.memory_space<vmem>> -> memref<1x64xf32, #tpu.memory_space<vmem>>
        %dma_start3A_304 = tpu.memref_squeeze %dma_start3A_303 : memref<1x64xf32, #tpu.memory_space<vmem>> -> memref<64xf32, #tpu.memory_space<vmem>>
        %dma_start3A_305 = arith.constant 0 : i32
        %dma_start3A_306 = tpu.memref_slice %arg2[%squeeze3A_291, %dma_start3A_305] : memref<1000000x64xf32, #tpu.memory_space<hbm>> -> memref<1x64xf32, #tpu.memory_space<hbm>>
        %dma_start3A_307 = tpu.memref_squeeze %dma_start3A_306 : memref<1x64xf32, #tpu.memory_space<hbm>> -> memref<64xf32, #tpu.memory_space<hbm>>
        tpu.enqueue_dma source(%dma_start3A_307 : memref<64xf32, #tpu.memory_space<hbm>>) target(%dma_start3A_304 : memref<64xf32, #tpu.memory_space<vmem>>) target_semaphore(%arg9 : memref<!tpu.dma_semaphore, #tpu.memory_space<semaphore_mem>>)
        %slice3A_308 = vector.extract_strided_slice %get3A_75 {offsets = [13], sizes = [1], strides = [1]} : vector<16xi32> to vector<1xi32>
        %squeeze3A_309 = vector.extract %slice3A_308[0] : i32 from vector<1xi32>
        %mul3A_310 = arith.constant 16 : i32
        %mul3A_311 = arith.muli %scan3A_68, %mul3A_310 : i32
        %add3A_312 = arith.constant 13 : i32
        %add3A_313 = arith.addi %mul3A_311, %add3A_312 : i32
        %dma_start3A_314 = arith.constant 0 : i32
        %dma_start3A_315 = tpu.memref_slice %arg7[%add3A_313, %dma_start3A_314] : memref<320x64xf32, #tpu.memory_space<vmem>> -> memref<1x64xf32, #tpu.memory_space<vmem>>
        %dma_start3A_316 = tpu.memref_squeeze %dma_start3A_315 : memref<1x64xf32, #tpu.memory_space<vmem>> -> memref<64xf32, #tpu.memory_space<vmem>>
        %dma_start3A_317 = arith.constant 0 : i32
        %dma_start3A_318 = tpu.memref_slice %arg2[%squeeze3A_309, %dma_start3A_317] : memref<1000000x64xf32, #tpu.memory_space<hbm>> -> memref<1x64xf32, #tpu.memory_space<hbm>>
        %dma_start3A_319 = tpu.memref_squeeze %dma_start3A_318 : memref<1x64xf32, #tpu.memory_space<hbm>> -> memref<64xf32, #tpu.memory_space<hbm>>
        %dma_start3A_320 = arith.constant 0 : i32
        %dma_start3A_321 = tpu.memref_slice %arg7[%add3A_313, %dma_start3A_320] : memref<320x64xf32, #tpu.memory_space<vmem>> -> memref<1x64xf32, #tpu.memory_space<vmem>>
        %dma_start3A_322 = tpu.memref_squeeze %dma_start3A_321 : memref<1x64xf32, #tpu.memory_space<vmem>> -> memref<64xf32, #tpu.memory_space<vmem>>
        %dma_start3A_323 = arith.constant 0 : i32
        %dma_start3A_324 = tpu.memref_slice %arg2[%squeeze3A_309, %dma_start3A_323] : memref<1000000x64xf32, #tpu.memory_space<hbm>> -> memref<1x64xf32, #tpu.memory_space<hbm>>
        %dma_start3A_325 = tpu.memref_squeeze %dma_start3A_324 : memref<1x64xf32, #tpu.memory_space<hbm>> -> memref<64xf32, #tpu.memory_space<hbm>>
        tpu.enqueue_dma source(%dma_start3A_325 : memref<64xf32, #tpu.memory_space<hbm>>) target(%dma_start3A_322 : memref<64xf32, #tpu.memory_space<vmem>>) target_semaphore(%arg9 : memref<!tpu.dma_semaphore, #tpu.memory_space<semaphore_mem>>)
        %slice3A_326 = vector.extract_strided_slice %get3A_75 {offsets = [14], sizes = [1], strides = [1]} : vector<16xi32> to vector<1xi32>
        %squeeze3A_327 = vector.extract %slice3A_326[0] : i32 from vector<1xi32>
        %mul3A_328 = arith.constant 16 : i32
        %mul3A_329 = arith.muli %scan3A_68, %mul3A_328 : i32
        %add3A_330 = arith.constant 14 : i32
        %add3A_331 = arith.addi %mul3A_329, %add3A_330 : i32
        %dma_start3A_332 = arith.constant 0 : i32
        %dma_start3A_333 = tpu.memref_slice %arg7[%add3A_331, %dma_start3A_332] : memref<320x64xf32, #tpu.memory_space<vmem>> -> memref<1x64xf32, #tpu.memory_space<vmem>>
        %dma_start3A_334 = tpu.memref_squeeze %dma_start3A_333 : memref<1x64xf32, #tpu.memory_space<vmem>> -> memref<64xf32, #tpu.memory_space<vmem>>
        %dma_start3A_335 = arith.constant 0 : i32
        %dma_start3A_336 = tpu.memref_slice %arg2[%squeeze3A_327, %dma_start3A_335] : memref<1000000x64xf32, #tpu.memory_space<hbm>> -> memref<1x64xf32, #tpu.memory_space<hbm>>
        %dma_start3A_337 = tpu.memref_squeeze %dma_start3A_336 : memref<1x64xf32, #tpu.memory_space<hbm>> -> memref<64xf32, #tpu.memory_space<hbm>>
        %dma_start3A_338 = arith.constant 0 : i32
        %dma_start3A_339 = tpu.memref_slice %arg7[%add3A_331, %dma_start3A_338] : memref<320x64xf32, #tpu.memory_space<vmem>> -> memref<1x64xf32, #tpu.memory_space<vmem>>
        %dma_start3A_340 = tpu.memref_squeeze %dma_start3A_339 : memref<1x64xf32, #tpu.memory_space<vmem>> -> memref<64xf32, #tpu.memory_space<vmem>>
        %dma_start3A_341 = arith.constant 0 : i32
        %dma_start3A_342 = tpu.memref_slice %arg2[%squeeze3A_327, %dma_start3A_341] : memref<1000000x64xf32, #tpu.memory_space<hbm>> -> memref<1x64xf32, #tpu.memory_space<hbm>>
        %dma_start3A_343 = tpu.memref_squeeze %dma_start3A_342 : memref<1x64xf32, #tpu.memory_space<hbm>> -> memref<64xf32, #tpu.memory_space<hbm>>
        tpu.enqueue_dma source(%dma_start3A_343 : memref<64xf32, #tpu.memory_space<hbm>>) target(%dma_start3A_340 : memref<64xf32, #tpu.memory_space<vmem>>) target_semaphore(%arg9 : memref<!tpu.dma_semaphore, #tpu.memory_space<semaphore_mem>>)
        %slice3A_344 = vector.extract_strided_slice %get3A_75 {offsets = [15], sizes = [1], strides = [1]} : vector<16xi32> to vector<1xi32>
        %squeeze3A_345 = vector.extract %slice3A_344[0] : i32 from vector<1xi32>
        %mul3A_346 = arith.constant 16 : i32
        %mul3A_347 = arith.muli %scan3A_68, %mul3A_346 : i32
        %add3A_348 = arith.constant 15 : i32
        %add3A_349 = arith.addi %mul3A_347, %add3A_348 : i32
        %dma_start3A_350 = arith.constant 0 : i32
        %dma_start3A_351 = tpu.memref_slice %arg7[%add3A_349, %dma_start3A_350] : memref<320x64xf32, #tpu.memory_space<vmem>> -> memref<1x64xf32, #tpu.memory_space<vmem>>
        %dma_start3A_352 = tpu.memref_squeeze %dma_start3A_351 : memref<1x64xf32, #tpu.memory_space<vmem>> -> memref<64xf32, #tpu.memory_space<vmem>>
        %dma_start3A_353 = arith.constant 0 : i32
        %dma_start3A_354 = tpu.memref_slice %arg2[%squeeze3A_345, %dma_start3A_353] : memref<1000000x64xf32, #tpu.memory_space<hbm>> -> memref<1x64xf32, #tpu.memory_space<hbm>>
        %dma_start3A_355 = tpu.memref_squeeze %dma_start3A_354 : memref<1x64xf32, #tpu.memory_space<hbm>> -> memref<64xf32, #tpu.memory_space<hbm>>
        %dma_start3A_356 = arith.constant 0 : i32
        %dma_start3A_357 = tpu.memref_slice %arg7[%add3A_349, %dma_start3A_356] : memref<320x64xf32, #tpu.memory_space<vmem>> -> memref<1x64xf32, #tpu.memory_space<vmem>>
        %dma_start3A_358 = tpu.memref_squeeze %dma_start3A_357 : memref<1x64xf32, #tpu.memory_space<vmem>> -> memref<64xf32, #tpu.memory_space<vmem>>
        %dma_start3A_359 = arith.constant 0 : i32
        %dma_start3A_360 = tpu.memref_slice %arg2[%squeeze3A_345, %dma_start3A_359] : memref<1000000x64xf32, #tpu.memory_space<hbm>> -> memref<1x64xf32, #tpu.memory_space<hbm>>
        %dma_start3A_361 = tpu.memref_squeeze %dma_start3A_360 : memref<1x64xf32, #tpu.memory_space<hbm>> -> memref<64xf32, #tpu.memory_space<hbm>>
        tpu.enqueue_dma source(%dma_start3A_361 : memref<64xf32, #tpu.memory_space<hbm>>) target(%dma_start3A_358 : memref<64xf32, #tpu.memory_space<vmem>>) target_semaphore(%arg9 : memref<!tpu.dma_semaphore, #tpu.memory_space<semaphore_mem>>)
      }
      %scan3A_42 = arith.constant 20 : i32
      %scan3A_43 = arith.constant 0 : i32
      %scan3A_44 = arith.constant 0 : i32
      %scan3A_45 = arith.constant 320 : i32
      %scan3A_46 = arith.addi %scan3A_44, %scan3A_45 : i32
      %scan3A_47 = arith.constant 1 : i32
      scf.for %scan3A_68 = %scan3A_44 to %scan3A_46 step %scan3A_47  : i32 {
        %dma_wait3A_69 = arith.constant 0 : i32
        %dma_wait3A_70 = arith.constant 0 : i32
        %dma_wait3A_71 = arith.constant 0 : i32
        %dma_wait3A_72 = tpu.memref_slice %arg6[%dma_wait3A_70, %dma_wait3A_71] : memref<320x64xf32, #tpu.memory_space<vmem>> -> memref<1x64xf32, #tpu.memory_space<vmem>>
        %dma_wait3A_73 = tpu.memref_squeeze %dma_wait3A_72 : memref<1x64xf32, #tpu.memory_space<vmem>> -> memref<64xf32, #tpu.memory_space<vmem>>
        %dma_wait3A_74 = arith.constant 0 : i32
        %dma_wait3A_75 = tpu.memref_slice %arg2[%dma_wait3A_69, %dma_wait3A_74] : memref<1000000x64xf32, #tpu.memory_space<hbm>> -> memref<1x64xf32, #tpu.memory_space<hbm>>
        %dma_wait3A_76 = tpu.memref_squeeze %dma_wait3A_75 : memref<1x64xf32, #tpu.memory_space<hbm>> -> memref<64xf32, #tpu.memory_space<hbm>>
        %dma_wait3A_77 = arith.constant 0 : i32
        %dma_wait3A_78 = tpu.memref_slice %arg6[%dma_wait3A_70, %dma_wait3A_77] : memref<320x64xf32, #tpu.memory_space<vmem>> -> memref<1x64xf32, #tpu.memory_space<vmem>>
        %dma_wait3A_79 = tpu.memref_squeeze %dma_wait3A_78 : memref<1x64xf32, #tpu.memory_space<vmem>> -> memref<64xf32, #tpu.memory_space<vmem>>
        %dma_wait3A_80 = arith.constant 0 : i32
        %dma_wait3A_81 = tpu.memref_slice %arg2[%dma_wait3A_69, %dma_wait3A_80] : memref<1000000x64xf32, #tpu.memory_space<hbm>> -> memref<1x64xf32, #tpu.memory_space<hbm>>
        %dma_wait3A_82 = tpu.memref_squeeze %dma_wait3A_81 : memref<1x64xf32, #tpu.memory_space<hbm>> -> memref<64xf32, #tpu.memory_space<hbm>>
        tpu.wait_dma2 semaphore(%arg8 : memref<!tpu.dma_semaphore, #tpu.memory_space<semaphore_mem>>) src(%dma_wait3A_82 : memref<64xf32, #tpu.memory_space<hbm>>) dst(%dma_wait3A_79 : memref<64xf32, #tpu.memory_space<vmem>>)
      }
      %scan3A_48 = arith.constant 320 : i32
      %mul3A_49 = arith.constant 320 : i32
      %mul3A_50 = arith.muli %mul3A_21, %mul3A_49 : i32
      %add3A_51 = arith.addi %mul3A_2, %mul3A_50 : i32
      %dma_start3A = arith.constant 0 : i32
      %dma_start3A_52 = tpu.memref_slice %arg4[%add3A_51, %dma_start3A] : memref<819200x64xf32, #tpu.memory_space<hbm>> -> memref<320x64xf32, #tpu.memory_space<hbm>>
      %dma_start3A_53 = arith.constant 0 : i32
      %dma_start3A_54 = tpu.memref_slice %arg4[%add3A_51, %dma_start3A_53] : memref<819200x64xf32, #tpu.memory_space<hbm>> -> memref<320x64xf32, #tpu.memory_space<hbm>>
      tpu.enqueue_dma source(%arg6 : memref<320x64xf32, #tpu.memory_space<vmem>>) target(%dma_start3A_54 : memref<320x64xf32, #tpu.memory_space<hbm>>) target_semaphore(%arg10 : memref<!tpu.dma_semaphore, #tpu.memory_space<semaphore_mem>>)
      %scan3A_55 = arith.constant 0 : i32
      %scan3A_56 = arith.constant 0 : i32
      %scan3A_57 = arith.constant 320 : i32
      %scan3A_58 = arith.addi %scan3A_56, %scan3A_57 : i32
      %scan3A_59 = arith.constant 1 : i32
      scf.for %scan3A_68 = %scan3A_56 to %scan3A_58 step %scan3A_59  : i32 {
        %dma_wait3A_69 = arith.constant 0 : i32
        %dma_wait3A_70 = arith.constant 0 : i32
        %dma_wait3A_71 = arith.constant 0 : i32
        %dma_wait3A_72 = tpu.memref_slice %arg7[%dma_wait3A_70, %dma_wait3A_71] : memref<320x64xf32, #tpu.memory_space<vmem>> -> memref<1x64xf32, #tpu.memory_space<vmem>>
        %dma_wait3A_73 = tpu.memref_squeeze %dma_wait3A_72 : memref<1x64xf32, #tpu.memory_space<vmem>> -> memref<64xf32, #tpu.memory_space<vmem>>
        %dma_wait3A_74 = arith.constant 0 : i32
        %dma_wait3A_75 = tpu.memref_slice %arg2[%dma_wait3A_69, %dma_wait3A_74] : memref<1000000x64xf32, #tpu.memory_space<hbm>> -> memref<1x64xf32, #tpu.memory_space<hbm>>
        %dma_wait3A_76 = tpu.memref_squeeze %dma_wait3A_75 : memref<1x64xf32, #tpu.memory_space<hbm>> -> memref<64xf32, #tpu.memory_space<hbm>>
        %dma_wait3A_77 = arith.constant 0 : i32
        %dma_wait3A_78 = tpu.memref_slice %arg7[%dma_wait3A_70, %dma_wait3A_77] : memref<320x64xf32, #tpu.memory_space<vmem>> -> memref<1x64xf32, #tpu.memory_space<vmem>>
        %dma_wait3A_79 = tpu.memref_squeeze %dma_wait3A_78 : memref<1x64xf32, #tpu.memory_space<vmem>> -> memref<64xf32, #tpu.memory_space<vmem>>
        %dma_wait3A_80 = arith.constant 0 : i32
        %dma_wait3A_81 = tpu.memref_slice %arg2[%dma_wait3A_69, %dma_wait3A_80] : memref<1000000x64xf32, #tpu.memory_space<hbm>> -> memref<1x64xf32, #tpu.memory_space<hbm>>
        %dma_wait3A_82 = tpu.memref_squeeze %dma_wait3A_81 : memref<1x64xf32, #tpu.memory_space<hbm>> -> memref<64xf32, #tpu.memory_space<hbm>>
        tpu.wait_dma2 semaphore(%arg9 : memref<!tpu.dma_semaphore, #tpu.memory_space<semaphore_mem>>) src(%dma_wait3A_82 : memref<64xf32, #tpu.memory_space<hbm>>) dst(%dma_wait3A_79 : memref<64xf32, #tpu.memory_space<vmem>>)
      }
      %scan3A_60 = arith.constant 320 : i32
      %mul3A_61 = arith.constant 320 : i32
      %mul3A_62 = arith.muli %add3A_23, %mul3A_61 : i32
      %add3A_63 = arith.addi %mul3A_2, %mul3A_62 : i32
      %dma_start3A_64 = arith.constant 0 : i32
      %dma_start3A_65 = tpu.memref_slice %arg4[%add3A_63, %dma_start3A_64] : memref<819200x64xf32, #tpu.memory_space<hbm>> -> memref<320x64xf32, #tpu.memory_space<hbm>>
      %dma_start3A_66 = arith.constant 0 : i32
      %dma_start3A_67 = tpu.memref_slice %arg4[%add3A_63, %dma_start3A_66] : memref<819200x64xf32, #tpu.memory_space<hbm>> -> memref<320x64xf32, #tpu.memory_space<hbm>>
      tpu.enqueue_dma source(%arg7 : memref<320x64xf32, #tpu.memory_space<vmem>>) target(%dma_start3A_67 : memref<320x64xf32, #tpu.memory_space<hbm>>) target_semaphore(%arg11 : memref<!tpu.dma_semaphore, #tpu.memory_space<semaphore_mem>>)
    }
    %scan3A_7 = arith.constant 40 : i32
    %dma_wait3A = arith.constant 0 : i32
    %dma_wait3A_8 = arith.constant 0 : i32
    %dma_wait3A_9 = tpu.memref_slice %arg4[%dma_wait3A, %dma_wait3A_8] : memref<819200x64xf32, #tpu.memory_space<hbm>> -> memref<320x64xf32, #tpu.memory_space<hbm>>
    %dma_wait3A_10 = arith.constant 0 : i32
    %dma_wait3A_11 = arith.constant 0 : i32
    %dma_wait3A_12 = tpu.memref_slice %arg4[%dma_wait3A_10, %dma_wait3A_11] : memref<819200x64xf32, #tpu.memory_space<hbm>> -> memref<320x64xf32, #tpu.memory_space<hbm>>
    tpu.wait_dma2 semaphore(%arg10 : memref<!tpu.dma_semaphore, #tpu.memory_space<semaphore_mem>>) src(%dma_wait3A_12 : memref<320x64xf32, #tpu.memory_space<hbm>>) dst(%arg6 : memref<320x64xf32, #tpu.memory_space<vmem>>)
    %dma_wait3A_13 = arith.constant 0 : i32
    %dma_wait3A_14 = arith.constant 0 : i32
    %dma_wait3A_15 = tpu.memref_slice %arg4[%dma_wait3A_13, %dma_wait3A_14] : memref<819200x64xf32, #tpu.memory_space<hbm>> -> memref<320x64xf32, #tpu.memory_space<hbm>>
    %dma_wait3A_16 = arith.constant 0 : i32
    %dma_wait3A_17 = arith.constant 0 : i32
    %dma_wait3A_18 = tpu.memref_slice %arg4[%dma_wait3A_16, %dma_wait3A_17] : memref<819200x64xf32, #tpu.memory_space<hbm>> -> memref<320x64xf32, #tpu.memory_space<hbm>>
    tpu.wait_dma2 semaphore(%arg11 : memref<!tpu.dma_semaphore, #tpu.memory_space<semaphore_mem>>) src(%dma_wait3A_18 : memref<320x64xf32, #tpu.memory_space<hbm>>) dst(%arg7 : memref<320x64xf32, #tpu.memory_space<vmem>>)
    return
  }
}

</mosaic_0001>

<sc_bundles>
// kernel: _embedding_gather.3.cloned.1.call-start
scs
__scs_entry_jumppad:
0x0: {  	(pc) =	sbr.rel $0x88, $3  }
0x1: {  	(tag) =	ssettag $0x0;
	lr =	simm.s32 $0x1  }
0x2: {  	[smem:$0x3F9F] =	sst lr;
	_ =	strace $0xD0000000  }
0x3: {  	_ = 	snop  }
0x4: {  	_ = 	snop  }
0x5: {  	_ = 	snop  }
0x6: {  	_ = 	snop  }
0x7: {  	_ = 	snop  }
__scs_overlays_trampoline_lowered:
0x8: {  	[smem:$0x3FAE] =	sst s0  }
0x9: {  	[smem:$0x3FAF] =	sst s1  }
0xa: {  	[smem:$0x3FB0] =	sst s2  }
0xb: {  	[smem:$0x3FB1] =	sst s3  }
0xc: {  	[smem:$0x3FB2] =	sst s4  }
0xd: {  	[smem:$0x3FB3] =	sst s5  }
0xe: {  	[smem:$0x3FB4] =	sst s6  }
0xf: {  	[smem:$0x3FB5] =	sst s7  }
0x10: {  	[smem:$0x3FB6] =	sst s8  }
0x11: {  	[smem:$0x3FB7] =	sst s9;
	s0 =	simm.s32 @!p0 $0x0  }
0x12: {  	s1 =	sld [smem:$0x3F9D];
	s0 =	simm.s32 @p0 $0x1  }
0x13: {  	[smem:$0x3FB8] =	sst s0;
	s0 =	simm.s32 @!p1 $0x0  }
0x14: {  	s2 =	sld [smem:$0x3F9C];
	s0 =	simm.s32 @p1 $0x1  }
0x15: {  	[smem:$0x3FB9] =	sst s0;
	s0 =	simm.s32 @!p2 $0x0  }
0x16: {  	s3 =	sld [smem:$0x3FDB];
	s0 =	simm.s32 @p2 $0x1  }
0x17: {  	s4 =	simm.s32 $0x1BF5;
	[smem:$0x3FBB] =	sst s0  }
0x18: {  	s0 =	sld [smem:$0x3F9E];
	_ =	swait.ge [sflag:s4], $0x0  }
0x19: {  	s7 =	sld [smem:$0x3F9F]  }
0x1a: {  	s8 =	sadd.s32 $0xFFFFE003, lr  }
0x1b: {  	s9 =	sadd.s32 $0xFFFFFEF7, lr;
	s5 =	simm.s32 $0xFFFFFFFF;
	p2 =	slt.u32 s8, $0xFFFFF086  }
0x1c: {  	p1 =	slt.u32 s9, $0xF7A;
	s5 =	simm.s32 @!p2 $0x0  }
0x1d: {  	s5 =	simm.s32 @p1 $0x1;
	p0 =	seq.s32 s7, s2  }
0x1e: {  	s7 =	smul.u32 @!p0 $0xF7A, s2;
	p2 =	seq.s32 @!p0 s5, $0x0  }
0x1f: {  	s9 =	smul.u32 $0xF7A, s1;
	s8 =	simm.s32 @!p0 $0x1BF5;
	p2 =	por !p2, p0  }
0x20: {  	[sflag:s8] =	ssyncset.s32 @!p0 $0xFFFFF086;
	s6 =	sadd.s32 @!p0 s3, s7;
	s7 =	simm.s32 @!p0 $0x108  }
0x21: {  	s3 =	sadd.s32 s3, s9;
	s6 =	sadd.s32 @!p0 $0x88, s6;
	s7 =	simm.s32 @p2 $0x1082  }
0x22: {  	[simem:s7], [sflag:s8] =	dma.local @!p0 [hbm:s6], $0xF7A  }
0x23: {  	s9 =	sor.u32 $0xD0000000, s2;
	s6 =	simm.s32 $0x108;
	_ =	swait.ge @!p0 [sflag:s8], $0x0  }
0x24: {  	s3 =	sadd.s32 $0x88, s3;
	s6 =	simm.s32 @!p1 $0x1082;
	[sflag:s4] =	ssyncset.s32 $0xFFFFF086  }
0x25: {  	[simem:s6], [sflag:s4] =	dma.local [hbm:s3], $0xF7A  }
0x26: {  	[smem:$0x3F9F] =	sst s1;
	(tag) =	ssettag s2;
	_ =	strace s9  }
0x27: {  	s1 =	sld [smem:$0x3FAF]  }
0x28: {  	s2 =	sld [smem:$0x3FB0]  }
0x29: {  	s4 =	sld [smem:$0x3FB2]  }
0x2a: {  	p0 =	seq.s32 s5, $0x0;
	s5 =	sld [smem:$0x3FB3]  }
0x2b: {  	s6 =	sld [smem:$0x3FB4]  }
0x2c: {  	s7 =	sld [smem:$0x3FB5]  }
0x2d: {  	s3 =	simm.s32 $0x108;
	s8 =	sld [smem:$0x3FB6]  }
0x2e: {  	s3 =	simm.s32 @!p0 $0x1082;
	s9 =	sld [smem:$0x3FB7]  }
0x2f: {  	lr =	sadd.s32 s0, s3;
	s0 =	sld [smem:$0x3FAE]  }
0x30: {  	s3 =	sld [smem:$0x3FB1]  }
0x31: {  	[smem:$0x3FBA] =	sst s10  }
0x32: {  	s10 =	sld [smem:$0x3FB8];
	_ =	sdelay $0x3  }
0x33: {  	p0 =	seq.s32 s10, $0x1;
	s10 =	sld [smem:$0x3FBA];
	_ =	sdelay $0x3  }
0x34: {  	[smem:$0x3FBA] =	sst s10  }
0x35: {  	s10 =	sld [smem:$0x3FB9];
	_ =	sdelay $0x3  }
0x36: {  	p1 =	seq.s32 s10, $0x1;
	s10 =	sld [smem:$0x3FBA];
	_ =	sdelay $0x3  }
0x37: {  	[smem:$0x3FBA] =	sst s10  }
0x38: {  	s10 =	sld [smem:$0x3FBB]  }
0x39: {  	_ = 	snop;
	(pc) =	sbr.ind lr, $3  }
0x3a: {  	_ = 	snop  }
0x3b: {  	_ = 	snop  }
0x3c: {  	p2 =	seq.s32 s10, $0x1;
	s10 =	sld [smem:$0x3FBA]  }
0x3d: {  	_ =	shalt  }
0x3e: {  	_ =	shalt  }
0x3f: {  	_ =	shalt  }
0x40: {  	_ =	shalt  }
0x41: {  	_ =	shalt  }
0x42: {  	_ =	shalt  }
0x43: {  	_ =	shalt  }
0x44: {  	_ =	shalt  }
0x45: {  	_ =	shalt  }
0x46: {  	_ =	shalt  }
0x47: {  	_ =	shalt  }
0x48: {  	_ =	shalt  }
0x49: {  	_ =	shalt  }
0x4a: {  	_ =	shalt  }
0x4b: {  	_ =	shalt  }
0x4c: {  	_ =	shalt  }
0x4d: {  	_ =	shalt  }
0x4e: {  	_ =	shalt  }
0x4f: {  	_ =	shalt  }
0x50: {  	_ =	shalt  }
0x51: {  	_ =	shalt  }
0x52: {  	_ =	shalt  }
0x53: {  	_ =	shalt  }
0x54: {  	_ =	shalt  }
0x55: {  	_ =	shalt  }
0x56: {  	_ =	shalt  }
0x57: {  	_ =	shalt  }
0x58: {  	_ =	shalt  }
0x59: {  	_ =	shalt  }
0x5a: {  	_ =	shalt  }
0x5b: {  	_ =	shalt  }
0x5c: {  	_ =	shalt  }
0x5d: {  	_ =	shalt  }
0x5e: {  	_ =	shalt  }
0x5f: {  	_ =	shalt  }
0x60: {  	_ =	shalt  }
0x61: {  	_ =	shalt  }
0x62: {  	_ =	shalt  }
0x63: {  	_ =	shalt  }
0x64: {  	_ =	shalt  }
0x65: {  	_ =	shalt  }
0x66: {  	_ =	shalt  }
0x67: {  	_ =	shalt  }
0x68: {  	_ =	shalt  }
0x69: {  	_ =	shalt  }
0x6a: {  	_ =	shalt  }
0x6b: {  	_ =	shalt  }
0x6c: {  	_ =	shalt  }
0x6d: {  	_ =	shalt  }
0x6e: {  	_ =	shalt  }
0x6f: {  	_ =	shalt  }
0x70: {  	_ =	shalt  }
0x71: {  	_ =	shalt  }
0x72: {  	_ =	shalt  }
0x73: {  	_ =	shalt  }
0x74: {  	_ =	shalt  }
0x75: {  	_ =	shalt  }
0x76: {  	_ =	shalt  }
0x77: {  	_ =	shalt  }
0x78: {  	_ =	shalt  }
0x79: {  	_ =	shalt  }
0x7a: {  	_ =	shalt  }
0x7b: {  	_ =	shalt  }
0x7c: {  	_ =	shalt  }
0x7d: {  	_ =	shalt  }
0x7e: {  	_ =	shalt  }
0x7f: {  	_ =	shalt  }
0x80: {  	_ =	shalt  }
0x81: {  	_ =	shalt  }
0x82: {  	_ =	shalt  }
0x83: {  	_ =	shalt  }
0x84: {  	_ =	shalt  }
0x85: {  	_ =	shalt  }
0x86: {  	_ =	shalt  }
0x87: {  	_ =	shalt  }
.Lfunc_end0:
.L_simem_size_0:
called_computation_lowered:
.L_overlay_start_0:
0x88: {  	s2 =	sld [smem:$0x3FD9]  }
0x89: {  	s3 =	sld [smem:$0x3FFE];
	_ =	sdelay $0x1  }
0x8a: {  	s1 =	srdreg.scid  }
0x8b: {  	s0 =	sand.u32 $0x1, s1  }
0x8c: {  	s17 =	sshll.u32 s0, $0xA;
	s2 =	sadd.s32 s3, s2  }
0x8d: {  	s2 =	sadd.s32 s2, s17  }
0x8e: {  	[smem:$0x3FC6] =	sst s2  }
0x8f: {  	_ = 	snop  }
0x90: {  	s2 =	sld [smem:$0x3FC8];
	(tm) =	ssettm $0x1  }
0x91: {  	s18 =	sld [smem:$0x3FFB];
	_ =	sdelay $0x3  }
0x92: {  	_ =	strace s18  }
0x93: {  	s3 =	sld [smem:$0x3FFC];
	_ =	sdelay $0x3  }
0x94: {  	_ =	strace s3  }
0x95: {  	s3 =	sld [smem:$0x3FFD];
	_ =	sdelay $0x3  }
0x96: {  	_ =	strace s3  }
0x97: {  	_ =	strace $0x8FFFFFFF  }
0x98: {  	s19 =	sld [smem:$0x3FDB];
	_ =	sdelay $0x1  }
0x99: {  	s4 =	simm.s32 $_scs_section_size  }
0x9a: {  	s5 =	simm.s32 $_size__tile_overlayer_lowered;
	s6 =	simm.s32 $_tile_overlayer_lowered  }
0x9b: {  	s22 =	simm.s32 $0x1BFF;
	s21 =	sshll.u32 s6, $0x1;
	s3 =	sadd.s32 s4, s19  }
0x9c: {  	s7 =	simm.s32 $0x0;
	s20 =	sshll.u32 s5, $0x1;
	s5 =	sadd.s32 s21, s3  }
0x9d: {  	[timem:s7], [sflag:s22] =	dma.local [hbm:s5], s20  }
0x9e: {  	_ =	swait.ge [sflag:s22], s20  }
0x9f: {  	s4 =	ssub.s32 $0x0, s20;
	[sflag:s22] =	ssyncset.done $0x0  }
0xa0: {  	[sflag:s22] =	ssyncadd.s32 s4;
	_ =	sdelay $0x1  }
0xa1: {  	s23 =	simm.s32 $0x1B8B  }
0xa2: {  	_ =	swait.ge [sflag:s23], $0x1  }
0xa3: {  	[sflag:s23] =	ssyncset.done $0x0  }
0xa4: {  	s25 =	simm.s32 $0x1B8E;
	s24 =	sld [smem:$0x3FFE];
	[sflag:s23] =	ssyncadd.s32 $0xFFFFFFFF  }
0xa5: {  	s26 =	simm.s32 $execute0_lowered;
	[smem:$0x3FD2] =	sst s25  }
0xa6: {  	s5 =	sshll.u32 s26, $0x1;
	_ =	strace $0x80000046;
	[dreg:$0x1] =	wrdreg $0xFFFFFFFF  }
0xa7: {  	s28 =	simm.s32 $_size_execute0_lowered;
	s3 =	sadd.s32 s3, s5;
	[dreg:$0x0] =	wrdreg $0x0  }
0xa8: {  	s5 =	sshll.u32 s28, $0x1;
	[dreg:$0x2] =	wrdreg s3  }
0xa9: {  	[dreg:$0x3] =	wrdreg s5  }
0xaa: {  	[dreg:$0x4] =	wrdreg $0xC0  }
0xab: {  	_ =	task [dreg:s7], $0x5FFFF  }
0xac: {  	[dreg:$0x1] =	wrdreg $0xFFFFFFFF  }
0xad: {  	[dreg:$0x0] =	wrdreg $0x60  }
0xae: {  	[dreg:$0x2] =	wrdreg s24  }
0xaf: {  	[dreg:$0x3] =	wrdreg s2  }
0xb0: {  	[dreg:$0x4] =	wrdreg $0x9  }
0xb1: {  	_ =	task.clear_ibuf [dreg:s7], $0x5FFFF;
	_ =	strace $0x90000046  }
0xb2: {  	s29 =	simm.s32 $0x9;
	_ =	strace $0x80000048  }
0xb3: {  	_ =	swait.ge [sflag:s29], $0x1  }
0xb4: {  	[sflag:s29] =	ssyncadd.s32 $0xFFFFFFFF  }
0xb5: {  	_ =	strace $0x90000048  }
0xb6: {  	_ =	sfence  }
0xb7: {  	s30 =	sld [smem:$0x0];
	_ =	sdelay $0x2  }
0xb8: {  	s31 =	sshll.u32 s1, $0xD;
	s1 =	sshrl.u32 s1, $0x2  }
0xb9: {  	s3 =	sand.u32 $0x4000, s31;
	s1 =	sadd.s32 s1, s30  }
0xba: {  	s0 =	sor.u32 s3, s0;
	s1 =	sshll.u32 s1, $0x11  }
0xbb: {  	s0 =	sor.u32 s1, s0  }
0xbc: {  	s0 =	sadd.s32 $0x8F2B, s0  }
0xbd: {  	[sflag:s0] =	ssyncadd.remote.s32 $0x1  }
0xbe: {  	_ =	sfence.sel $0xFFFF  }
0xbf: {  	[dreg:$0x0] =	wrdreg $0xFFFFFFFF;
	(pc) =	sbr.abs _section_cstart, $3  }
0xc0: {  	[dreg:$0x1] =	wrdreg $0xFFFFFFFF  }
0xc1: {  	_ =	task.clear_ibuf [dreg:s7], $0x2FFFF;
	_ =	strace $0x9FFFFFFF  }
0xc2: {  	(tm) =	ssettm $0x7FFFFFFF  }
0xc3: {  	_ =	shalt  }
tec
execute0_lowered:
.L_overlay_start_1:
0x0: {  	(tag) =	ssettag $0x1  }
0x1: {  	s0 =	rddreg [dreg:$0x0];
	s1 =	srdreg.scid  }
0x2: {  	s2 =	stileid.u32;
	s6 =	rddreg [dreg:$0x1];
	s1 =	sand.u32 $0x1, s1  }
0x3: {  	s3 =	sshll.u32 s2, $0x1;
	s2 =	simm.s32 $0x0;
	s4 =	sadd.s32 $0x400, s0  }
0x4: {  	s5 =	sadd.s32 $0xF42800, s0;
	s3 =	sor.u32 s1, s3;
	s1 =	ssub.s32 $0x2, s1  }
0x5: {  	[smem:$0x7FF] =	sst s2;
	s3 =	smul.u32 $0x6400, s3;
	s7 =	sshrl.u32 s1, $0x1  }
0x6: {  	_ =	strace $0x80000047;
	[dreg:$0x4] =	wrdreg s5;
	s30 =	ssub.s32 s1, s7  }
0x7: {  	s8 =	sshrl.u32 s3, $0x3;
	s0 =	smax.u32 s30, $0x1;
	[dreg:$0x3] =	wrdreg s3  }
0x8: {  	s9 =	simm.s32 $0x1;
	s31 =	sadd.s32 s6, s8;
	[dreg:$0x6] =	wrdreg s0  }
0x9: {  	s11 =	simm.s32 $0x2;
	s6 =	simm.s32 $0x0;
	[dreg:$0x5] =	wrdreg s31  }
.LBB2_1:
0xa: {  	[dreg:$0x7] =	wrdreg s6  }
0xb: {  	s0 =	rddreg [dreg:$0x5];
	s31 =	simm.s32 $0x5  }
0xc: {  	[tilespmem:s2], [sflag:$0x5] =	stream.linear.gather [hbm4b:s0+s2], $0x6400, $0x38;
	[tilespmem:$0x1A400] =	vst v63  }
0xd: {  	_ =	swait.ge [sflag:s31], $0x6400  }
0xe: {  	s16 =	simm.s32 $0x140;
	[sflag:s31] =	ssyncset.done $0x0  }
0xf: {  	s17 =	simm.s32 $0x0;
	s18 =	simm.s32 $0x0;
	[sflag:s31] =	ssyncadd.s32 $0xFFFF9C00  }
.LBB2_2:
0x10: {  	p0 =	seq.s32 s18, $0x0  }
0x11: {  	s0 =	simm.s32 @!p0 $0x3  }
0x12: {  	s1 =	simm.s32 $0x0;
	s6 =	sadd.s32 $0x0, s17;
	_ =	swait.ge @!p0 [sflag:s0], $0xA000  }
0x13: {  	s6 =	sand.u32 $0x1FF80, s6;
	s1 =	sand.u32 $0x70, s1;
	[sflag:s0] =	ssyncset.done @!p0 $0x0  }
0x14: {  	s12 =	sor.u32 s1, s6;
	[sflag:s0] =	ssyncadd.s32 @!p0 $0xFFFF6000  }
0x15: {  	v0 =	vld [tilespmem:s12+$0x0];
	_ =	sdelay $0x4  }
0x16: {  	v0 =	vshll.u32 v0, $0x4  }
0x17: {  	(v2sf) =	vpush v0, $0x0  }
0x18: {  	(v2sf) =	vpush v0, $0x1  }
0x19: {  	(v2sf) =	vpush v0, $0x2;
	_ =	sdelay $0x1  }
0x1a: {  	(v2sf) =	vpush v0, $0x3;
	_ =	sdelay $0x1  }
0x1b: {  	(v2sf) =	vpush v0, $0x4;
	_ =	sdelay $0x3  }
0x1c: {  	(v2sf) =	vpush v0, $0x5;
	_ =	sdelay $0x1  }
0x1d: {  	s13 =	sshllo.u32 s18, $0x1;
	s14 =	smul.u32 $0x280, s18;
	s21 =	simm.s32 $0x2000;
	(v2sf) =	vpush v0, $0x6  }
0x1e: {  	s22 =	simm.s32 $0x4000;
	s23 =	simm.s32 $0x10;
	s24 =	simm.s32 $0x0  }
0x1f: {  	s15 =	simm.s32 $0x6480;
	s8 =	simm.s32 $0x6780;
	s26 =	simm.s32 $0x6400  }
0x20: {  	s19 =	simm.s32 $0x6600;
	s3 =	simm.s32 $0x6500;
	s7 =	spop (v2sf);
	(v2sf) =	vpush v0, $0x7  }
0x21: {  	[dreg:$0x8] =	wrdreg s13;
	s7 =	sand.u32 $0x1FFFFFF0, s7;
	s25 =	spop (v2sf)  }
0x22: {  	(v2sf) =	vpush v0, $0x8;
	s25 =	sand.u32 $0x1FFFFFF0, s25;
	s7 =	sadd.s32 s4, s7;
	s20 =	spop (v2sf)  }
0x23: {  	(v2sf) =	vpush v0, $0x9;
	[tilespmem:s26], [sflag:$0x1] =	stream.linear.gather [hbm4b:s7+s2], $0x80, $0x38;
	[tilespmem:$0x1A400] =	vst v63  }
0x24: {  	s25 =	sadd.s32 s4, s25;
	s5 =	sand.u32 $0x1FFFFFF0, s20;
	s10 =	spop (v2sf);
	(v2sf) =	vpush v0, $0xA  }
0x25: {  	[tilespmem:s15], [sflag:$0x1] =	stream.linear.gather [hbm4b:s25+s2], $0x80, $0x38;
	[tilespmem:$0x1A400] =	vst v63  }
0x26: {  	s26 =	sand.u32 $0x1FFFFFF0, s10;
	s28 =	spop (v2sf);
	s25 =	sadd.s32 s4, s5  }
0x27: {  	[tilespmem:s3], [sflag:$0x1] =	stream.linear.gather [hbm4b:s25+s2], $0x80, $0x38;
	[tilespmem:$0x1A400] =	vst v63  }
0x28: {  	s12 =	simm.s32 $0x6580;
	(v2sf) =	vpush v0, $0xB;
	s13 =	sand.u32 $0x1FFFFFF0, s28;
	s26 =	sadd.s32 s4, s26  }
0x29: {  	[tilespmem:s12], [sflag:$0x1] =	stream.linear.gather [hbm4b:s26+s2], $0x80, $0x38;
	[tilespmem:$0x1A400] =	vst v63  }
0x2a: {  	[dreg:$0x9] =	wrdreg s14;
	s14 =	spop (v2sf);
	s25 =	sadd.s32 s4, s13  }
0x2b: {  	[tilespmem:s19], [sflag:$0x1] =	stream.linear.gather [hbm4b:s25+s2], $0x80, $0x38;
	[tilespmem:$0x1A400] =	vst v63  }
0x2c: {  	s29 =	simm.s32 $0x6980;
	s1 =	sand.u32 $0x1FFFFFF0, s14;
	s19 =	spop (v2sf)  }
0x2d: {  	s15 =	simm.s32 $0x6680;
	(v2sf) =	vpush v0, $0xC;
	s1 =	sadd.s32 s4, s1;
	s20 =	sand.u32 $0x1FFFFFF0, s19  }
0x2e: {  	[tilespmem:s15], [sflag:$0x1] =	stream.linear.gather [hbm4b:s1+s2], $0x80, $0x38;
	[tilespmem:$0x1A400] =	vst v63  }
0x2f: {  	s6 =	simm.s32 $0x6700;
	s5 =	sadd.s32 s4, s20;
	s3 =	spop (v2sf);
	(v2sf) =	vpush v0, $0xD  }
0x30: {  	[tilespmem:s6], [sflag:$0x1] =	stream.linear.gather [hbm4b:s5+s2], $0x80, $0x38;
	[tilespmem:$0x1A400] =	vst v63  }
0x31: {  	s31 =	simm.s32 $0x6A00;
	s30 =	simm.s32 $0x6A80;
	s10 =	spop (v2sf);
	(v2sf) =	vpush v0, $0xE  }
0x32: {  	s0 =	sadd.s32 $0x10, s17;
	s28 =	simm.s32 $0x6900;
	s12 =	spop (v2sf)  }
0x33: {  	s14 =	simm.s32 $0x6880;
	s7 =	sand.u32 $0x1FFFFFF0, s3;
	s15 =	spop (v2sf);
	(v2sf) =	vpush v0, $0xF  }
0x34: {  	s13 =	simm.s32 $0x6800;
	s26 =	sand.u32 $0x1FF80, s0;
	s0 =	sadd.s32 s4, s7  }
0x35: {  	[tilespmem:s8], [sflag:$0x1] =	stream.linear.gather [hbm4b:s0+s2], $0x80, $0x38;
	[tilespmem:$0x1A400] =	vst v63  }
0x36: {  	s25 =	simm.s32 $0x6B80;
	s1 =	sand.u32 $0x1FFFFFF0, s10;
	s6 =	sand.u32 $0x1FFFFFF0, s12  }
0x37: {  	s1 =	sadd.s32 s4, s1;
	s19 =	sand.u32 $0x1FFFFFF0, s15;
	s20 =	spop (v2sf)  }
0x38: {  	[tilespmem:s13], [sflag:$0x1] =	stream.linear.gather [hbm4b:s1+s2], $0x80, $0x38;
	[tilespmem:$0x1A400] =	vst v63  }
0x39: {  	s6 =	sadd.s32 s4, s6;
	s1 =	sadd.s32 s4, s19;
	s0 =	sand.u32 $0x1FFFFFF0, s20  }
0x3a: {  	[tilespmem:s14], [sflag:$0x1] =	stream.linear.gather [hbm4b:s6+s2], $0x80, $0x38;
	[tilespmem:$0x1A400] =	vst v63  }
.LBB2_3:
0x3b: {  	p1 =	sne.s32 s22, $0x26000  }
0x3c: {  	s6 =	sand.u32 $0x70, s23;
	s7 =	spop (v2sf);
	s8 =	smov.u32 s22  }
0x3d: {  	[tilespmem:s28], [sflag:$0x1] =	stream.linear.gather [hbm4b:s1+s2], $0x80, $0x38;
	[tilespmem:$0x1A400] =	vst v63  }
0x3e: {  	s0 =	sadd.s32 s4, s0;
	s1 =	sand.u32 $0x1FFFFFF0, s7;
	s7 =	spop (v2sf)  }
0x3f: {  	[tilespmem:s29], [sflag:$0x1] =	stream.linear.gather [hbm4b:s0+s2], $0x80, $0x38;
	[tilespmem:$0x1A400] =	vst v63  }
0x40: {  	s0 =	sadd.s32 s4, s1;
	s1 =	sand.u32 $0x1FFFFFF0, s7;
	s7 =	spop (v2sf)  }
0x41: {  	[tilespmem:s31], [sflag:$0x1] =	stream.linear.gather [hbm4b:s0+s2], $0x80, $0x38;
	[tilespmem:$0x1A400] =	vst v63  }
0x42: {  	s0 =	sadd.s32 s4, s1;
	s1 =	sand.u32 $0x1FFFFFF0, s7;
	s7 =	spop (v2sf)  }
0x43: {  	[tilespmem:s30], [sflag:$0x1] =	stream.linear.gather [hbm4b:s0+s2], $0x80, $0x38;
	[tilespmem:$0x1A400] =	vst v63  }
0x44: {  	s1 =	sadd.s32 s4, s1;
	s0 =	sadd.s32 $0x6B00, s24;
	s7 =	sand.u32 $0x1FFFFFF0, s7  }
0x45: {  	[tilespmem:s0], [sflag:$0x1] =	stream.linear.gather [hbm4b:s1+s2], $0x80, $0x38;
	[tilespmem:$0x1A400] =	vst v63  }
0x46: {  	s22 =	sadd.s32 $0x2000, s22;
	s0 =	sor.u32 s6, s26;
	s1 =	sadd.s32 s4, s7  }
0x47: {  	[tilespmem:s25], [sflag:$0x1] =	stream.linear.gather [hbm4b:s1+s2], $0x80, $0x38;
	[tilespmem:$0x1A400] =	vst v63  }
0x48: {  	v0 =	vld [tilespmem:s0+$0x0];
	_ =	sdelay $0x4  }
0x49: {  	v0 =	vshll.u32 v0, $0x4  }
0x4a: {  	(v2sf) =	vpush v0, $0x0  }
0x4b: {  	(v2sf) =	vpush v0, $0x1  }
0x4c: {  	(v2sf) =	vpush v0, $0x2  }
0x4d: {  	(v2sf) =	vpush v0, $0x3;
	_ =	sdelay $0x1  }
0x4e: {  	(v2sf) =	vpush v0, $0x4;
	_ =	sdelay $0x1  }
0x4f: {  	s23 =	sadd.s32 $0x10, s23;
	(v2sf) =	vpush v0, $0x5  }
0x50: {  	s24 =	sshra.s32 s21, $0x2;
	s21 =	smov.u32 s8;
	s6 =	sadd.s32 s23, s17  }
0x51: {  	s13 =	sadd.s32 $0x6480, s24;
	s1 =	sadd.s32 $0x6780, s24;
	s0 =	sadd.s32 $0x6700, s24;
	(v2sf) =	vpush v0, $0x6  }
0x52: {  	s14 =	sadd.s32 $0x6400, s24;
	s15 =	sadd.s32 $0x6600, s24;
	s28 =	sadd.s32 $0x6900, s24  }
0x53: {  	s8 =	sadd.s32 $0x6680, s24;
	s29 =	sadd.s32 $0x6980, s24;
	s25 =	sadd.s32 $0x6B80, s24;
	(v2sf) =	vpush v0, $0x7  }
0x54: {  	s31 =	sadd.s32 $0x6A00, s24;
	s26 =	sand.u32 $0x1FF80, s6;
	s6 =	sadd.s32 $0x6800, s24  }
0x55: {  	s30 =	sadd.s32 $0x6A80, s24;
	(v2sf) =	vpush v0, $0x8  }
0x56: {  	s7 =	sadd.s32 $0x6880, s24  }
0x57: {  	s10 =	sadd.s32 $0x6580, s24;
	s12 =	spop (v2sf);
	(v2sf) =	vpush v0, $0x9  }
0x58: {  	s12 =	sand.u32 $0x1FFFFFF0, s12;
	s3 =	spop (v2sf)  }
0x59: {  	s5 =	sadd.s32 $0x6500, s24;
	s3 =	sand.u32 $0x1FFFFFF0, s3;
	s19 =	spop (v2sf);
	(v2sf) =	vpush v0, $0xA  }
0x5a: {  	s12 =	sadd.s32 s4, s12;
	s19 =	sand.u32 $0x1FFFFFF0, s19;
	s20 =	spop (v2sf)  }
0x5b: {  	[tilespmem:s14], [sflag:$0x1] =	stream.linear.gather [hbm4b:s12+s2], $0x80, $0x38;
	(v2sf) =	vpush v0, $0xB;
	[tilespmem:$0x1A400] =	vst v63  }
0x5c: {  	s3 =	sadd.s32 s4, s3;
	s12 =	sand.u32 $0x1FFFFFF0, s20;
	s14 =	spop (v2sf)  }
0x5d: {  	[tilespmem:s13], [sflag:$0x1] =	stream.linear.gather [hbm4b:s3+s2], $0x80, $0x38;
	[tilespmem:$0x1A400] =	vst v63  }
0x5e: {  	s3 =	sadd.s32 s4, s19;
	s13 =	sand.u32 $0x1FFFFFF0, s14;
	s14 =	spop (v2sf)  }
0x5f: {  	[tilespmem:s5], [sflag:$0x1] =	stream.linear.gather [hbm4b:s3+s2], $0x80, $0x38;
	(v2sf) =	vpush v0, $0xC;
	[tilespmem:$0x1A400] =	vst v63  }
0x60: {  	s3 =	sadd.s32 s4, s12;
	s5 =	sand.u32 $0x1FFFFFF0, s14;
	s12 =	spop (v2sf)  }
0x61: {  	[tilespmem:s10], [sflag:$0x1] =	stream.linear.gather [hbm4b:s3+s2], $0x80, $0x38;
	(v2sf) =	vpush v0, $0xD;
	[tilespmem:$0x1A400] =	vst v63  }
0x62: {  	s3 =	sadd.s32 s4, s13;
	s10 =	sand.u32 $0x1FFFFFF0, s12;
	s12 =	spop (v2sf)  }
0x63: {  	[tilespmem:s15], [sflag:$0x1] =	stream.linear.gather [hbm4b:s3+s2], $0x80, $0x38;
	(v2sf) =	vpush v0, $0xE;
	[tilespmem:$0x1A400] =	vst v63  }
0x64: {  	s3 =	sadd.s32 s4, s5;
	s5 =	sand.u32 $0x1FFFFFF0, s12;
	s12 =	spop (v2sf)  }
0x65: {  	[tilespmem:s8], [sflag:$0x1] =	stream.linear.gather [hbm4b:s3+s2], $0x80, $0x38;
	(v2sf) =	vpush v0, $0xF;
	[tilespmem:$0x1A400] =	vst v63  }
0x66: {  	s3 =	sadd.s32 s4, s10;
	s8 =	sand.u32 $0x1FFFFFF0, s12;
	s10 =	spop (v2sf)  }
0x67: {  	[tilespmem:s0], [sflag:$0x1] =	stream.linear.gather [hbm4b:s3+s2], $0x80, $0x38;
	[tilespmem:$0x1A400] =	vst v63  }
0x68: {  	s0 =	sadd.s32 s4, s5;
	s3 =	sand.u32 $0x1FFFFFF0, s10;
	s5 =	spop (v2sf)  }
0x69: {  	[tilespmem:s1], [sflag:$0x1] =	stream.linear.gather [hbm4b:s0+s2], $0x80, $0x38;
	[tilespmem:$0x1A400] =	vst v63  }
.Ltmp0:
0x6a: {  	_ = 	snop;
	(pc) =	sbr.rel @p1 .LBB2_3-.Ltmp0, $4  }
0x6b: {  	s0 =	sadd.s32 s4, s8;
	s1 =	sand.u32 $0x1FFFFFF0, s5;
	s5 =	spop (v2sf)  }
0x6c: {  	[tilespmem:s6], [sflag:$0x1] =	stream.linear.gather [hbm4b:s0+s2], $0x80, $0x38;
	[tilespmem:$0x1A400] =	vst v63  }
0x6d: {  	s3 =	sadd.s32 s4, s3;
	s1 =	sadd.s32 s4, s1;
	s0 =	sand.u32 $0x1FFFFFF0, s5  }
0x6e: {  	[tilespmem:s7], [sflag:$0x1] =	stream.linear.gather [hbm4b:s3+s2], $0x80, $0x38;
	[tilespmem:$0x1A400] =	vst v63  }
0x6f: {  	s3 =	sand.u32 $0x70, s23;
	s5 =	spop (v2sf)  }
0x70: {  	[tilespmem:s28], [sflag:$0x1] =	stream.linear.gather [hbm4b:s1+s2], $0x80, $0x38;
	[tilespmem:$0x1A400] =	vst v63  }
0x71: {  	s0 =	sadd.s32 s4, s0;
	s10 =	sand.u32 $0x1FFFFFF0, s5;
	s12 =	spop (v2sf)  }
0x72: {  	[tilespmem:s29], [sflag:$0x1] =	stream.linear.gather [hbm4b:s0+s2], $0x80, $0x38;
	[tilespmem:$0x1A400] =	vst v63  }
0x73: {  	s13 =	sadd.s32 s4, s10;
	s14 =	sand.u32 $0x1FFFFFF0, s12;
	s15 =	spop (v2sf)  }
0x74: {  	[tilespmem:s31], [sflag:$0x1] =	stream.linear.gather [hbm4b:s13+s2], $0x80, $0x38;
	[tilespmem:$0x1A400] =	vst v63  }
0x75: {  	s19 =	sadd.s32 s4, s14;
	s20 =	sand.u32 $0x1FFFFFF0, s15;
	s22 =	spop (v2sf)  }
0x76: {  	[tilespmem:s30], [sflag:$0x1] =	stream.linear.gather [hbm4b:s19+s2], $0x80, $0x38;
	[tilespmem:$0x1A400] =	vst v63  }
0x77: {  	s23 =	sadd.s32 $0x6B00, s24;
	s1 =	sadd.s32 s4, s20;
	s5 =	sand.u32 $0x1FFFFFF0, s22  }
0x78: {  	[tilespmem:s23], [sflag:$0x1] =	stream.linear.gather [hbm4b:s1+s2], $0x80, $0x38;
	[tilespmem:$0x1A400] =	vst v63  }
0x79: {  	s24 =	sor.u32 s3, s26;
	s26 =	sadd.s32 s4, s5  }
0x7a: {  	[tilespmem:s25], [sflag:$0x1] =	stream.linear.gather [hbm4b:s26+s2], $0x80, $0x38;
	[tilespmem:$0x1A400] =	vst v63  }
0x7b: {  	v0 =	vld [tilespmem:s24+$0x0];
	_ =	sdelay $0x4  }
0x7c: {  	v0 =	vshll.u32 v0, $0x4  }
0x7d: {  	(v2sf) =	vpush v0, $0x0  }
0x7e: {  	(v2sf) =	vpush v0, $0x1  }
0x7f: {  	(v2sf) =	vpush v0, $0x2;
	_ =	sdelay $0x1  }
0x80: {  	(v2sf) =	vpush v0, $0x3;
	_ =	sdelay $0x1  }
0x81: {  	(v2sf) =	vpush v0, $0x4;
	_ =	sdelay $0x1  }
0x82: {  	(v2sf) =	vpush v0, $0x5;
	_ =	sdelay $0x1  }
0x83: {  	s21 =	sshra.s32 s21, $0x2;
	(v2sf) =	vpush v0, $0x6  }
0x84: {  	s28 =	sadd.s32 $0x6480, s21;
	s8 =	sadd.s32 $0x6780, s21  }
0x85: {  	s7 =	sadd.s32 $0x6900, s21;
	s6 =	sadd.s32 $0x6980, s21;
	s10 =	sadd.s32 $0x6400, s21;
	(v2sf) =	vpush v0, $0x7  }
0x86: {  	s12 =	sadd.s32 $0x6600, s21;
	s0 =	sadd.s32 $0x6A80, s21;
	s29 =	sadd.s32 $0x6500, s21  }
0x87: {  	s14 =	sadd.s32 $0x6800, s21;
	s13 =	sadd.s32 $0x6680, s21;
	s19 =	sadd.s32 $0x6880, s21;
	(v2sf) =	vpush v0, $0x8  }
0x88: {  	s22 =	sadd.s32 $0x6580, s21;
	s5 =	sadd.s32 $0x6700, s21;
	s15 =	spop (v2sf)  }
0x89: {  	s1 =	sadd.s32 $0x6A00, s21;
	(v2sf) =	vpush v0, $0x9;
	s20 =	spop (v2sf);
	s15 =	sand.u32 $0x1FFFFFF0, s15  }
0x8a: {  	s20 =	sand.u32 $0x1FFFFFF0, s20;
	s30 =	spop (v2sf);
	s15 =	sadd.s32 s4, s15  }
0x8b: {  	(v2sf) =	vpush v0, $0xA;
	[tilespmem:s10], [sflag:$0x1] =	stream.linear.gather [hbm4b:s15+s2], $0x80, $0x38;
	[tilespmem:$0x1A400] =	vst v63  }
0x8c: {  	s31 =	sand.u32 $0x1FFFFFF0, s30;
	s24 =	spop (v2sf);
	s20 =	sadd.s32 s4, s20  }
0x8d: {  	(v2sf) =	vpush v0, $0xB;
	[tilespmem:s28], [sflag:$0x1] =	stream.linear.gather [hbm4b:s20+s2], $0x80, $0x38;
	[tilespmem:$0x1A400] =	vst v63  }
0x8e: {  	s25 =	sand.u32 $0x1FFFFFF0, s24;
	s26 =	spop (v2sf);
	s10 =	sadd.s32 s4, s31  }
0x8f: {  	(v2sf) =	vpush v0, $0xC;
	[tilespmem:s29], [sflag:$0x1] =	stream.linear.gather [hbm4b:s10+s2], $0x80, $0x38;
	[tilespmem:$0x1A400] =	vst v63  }
0x90: {  	s28 =	sand.u32 $0x1FFFFFF0, s26;
	s3 =	sadd.s32 s4, s25;
	s29 =	spop (v2sf)  }
0x91: {  	(v2sf) =	vpush v0, $0xD;
	[tilespmem:s22], [sflag:$0x1] =	stream.linear.gather [hbm4b:s3+s2], $0x80, $0x38;
	[tilespmem:$0x1A400] =	vst v63  }
0x92: {  	s10 =	sadd.s32 s4, s28;
	s30 =	sand.u32 $0x1FFFFFF0, s29;
	s31 =	spop (v2sf)  }
0x93: {  	(v2sf) =	vpush v0, $0xE;
	[tilespmem:s12], [sflag:$0x1] =	stream.linear.gather [hbm4b:s10+s2], $0x80, $0x38;
	[tilespmem:$0x1A400] =	vst v63  }
0x94: {  	s20 =	sand.u32 $0x1FFFFFF0, s31;
	s22 =	spop (v2sf);
	s3 =	sadd.s32 s4, s30  }
0x95: {  	(v2sf) =	vpush v0, $0xF;
	[tilespmem:s13], [sflag:$0x1] =	stream.linear.gather [hbm4b:s3+s2], $0x80, $0x38;
	[tilespmem:$0x1A400] =	vst v63  }
0x96: {  	s23 =	sand.u32 $0x1FFFFFF0, s22;
	s24 =	spop (v2sf);
	s10 =	sadd.s32 s4, s20  }
0x97: {  	[tilespmem:s5], [sflag:$0x1] =	stream.linear.gather [hbm4b:s10+s2], $0x80, $0x38;
	[tilespmem:$0x1A400] =	vst v63  }
0x98: {  	s25 =	sand.u32 $0x1FFFFFF0, s24;
	s3 =	sadd.s32 s4, s23;
	s26 =	spop (v2sf)  }
0x99: {  	[tilespmem:s8], [sflag:$0x1] =	stream.linear.gather [hbm4b:s3+s2], $0x80, $0x38;
	[tilespmem:$0x1A400] =	vst v63  }
0x9a: {  	s5 =	sadd.s32 s4, s25;
	s28 =	sand.u32 $0x1FFFFFF0, s26;
	s29 =	spop (v2sf)  }
0x9b: {  	[tilespmem:s14], [sflag:$0x1] =	stream.linear.gather [hbm4b:s5+s2], $0x80, $0x38;
	[tilespmem:$0x1A400] =	vst v63  }
0x9c: {  	s30 =	sand.u32 $0x1FFFFFF0, s29;
	s31 =	spop (v2sf);
	s3 =	sadd.s32 s4, s28  }
0x9d: {  	[tilespmem:s19], [sflag:$0x1] =	stream.linear.gather [hbm4b:s3+s2], $0x80, $0x38;
	[tilespmem:$0x1A400] =	vst v63  }
0x9e: {  	s10 =	sand.u32 $0x1FFFFFF0, s31;
	s12 =	spop (v2sf);
	s5 =	sadd.s32 s4, s30  }
0x9f: {  	[tilespmem:s7], [sflag:$0x1] =	stream.linear.gather [hbm4b:s5+s2], $0x80, $0x38;
	[tilespmem:$0x1A400] =	vst v63  }
0xa0: {  	s13 =	sadd.s32 s4, s10;
	s14 =	sand.u32 $0x1FFFFFF0, s12;
	s15 =	spop (v2sf)  }
0xa1: {  	[tilespmem:s6], [sflag:$0x1] =	stream.linear.gather [hbm4b:s13+s2], $0x80, $0x38;
	[tilespmem:$0x1A400] =	vst v63  }
0xa2: {  	s20 =	sand.u32 $0x1FFFFFF0, s15;
	s19 =	sadd.s32 s4, s14;
	s22 =	spop (v2sf)  }
0xa3: {  	[tilespmem:s1], [sflag:$0x1] =	stream.linear.gather [hbm4b:s19+s2], $0x80, $0x38;
	[tilespmem:$0x1A400] =	vst v63  }
0xa4: {  	s23 =	sadd.s32 s4, s20;
	s24 =	sand.u32 $0x1FFFFFF0, s22;
	s25 =	spop (v2sf)  }
0xa5: {  	[tilespmem:s0], [sflag:$0x1] =	stream.linear.gather [hbm4b:s23+s2], $0x80, $0x38;
	[tilespmem:$0x1A400] =	vst v63  }
0xa6: {  	s26 =	sadd.s32 $0x6B00, s21;
	s28 =	sadd.s32 s4, s24;
	s29 =	sand.u32 $0x1FFFFFF0, s25  }
0xa7: {  	[tilespmem:s26], [sflag:$0x1] =	stream.linear.gather [hbm4b:s28+s2], $0x80, $0x38;
	[tilespmem:$0x1A400] =	vst v63  }
0xa8: {  	s30 =	sadd.s32 $0x6B80, s21;
	s31 =	sadd.s32 s4, s29;
	s0 =	simm.s32 @!p0 $0x4  }
0xa9: {  	[tilespmem:s30], [sflag:$0x1] =	stream.linear.gather [hbm4b:s31+s2], $0x80, $0x38;
	[tilespmem:$0x1A400] =	vst v63  }
0xaa: {  	_ =	swait.ge @!p0 [sflag:s0], $0xA000  }
0xab: {  	[sflag:s0] =	ssyncset.done @!p0 $0x0  }
0xac: {  	[sflag:s0] =	ssyncadd.s32 @!p0 $0xFFFF6000  }
0xad: {  	v0 =	vld [tilespmem:s16+$0x0];
	_ =	sdelay $0x4  }
0xae: {  	v0 =	vshll.u32 v0, $0x4  }
0xaf: {  	(v2sf) =	vpush v0, $0x0  }
0xb0: {  	(v2sf) =	vpush v0, $0x1  }
0xb1: {  	(v2sf) =	vpush v0, $0x2;
	_ =	sdelay $0x1  }
0xb2: {  	(v2sf) =	vpush v0, $0x4;
	_ =	sdelay $0x1  }
0xb3: {  	(v2sf) =	vpush v0, $0x3  }
0xb4: {  	(v2sf) =	vpush v0, $0x5  }
0xb5: {  	s21 =	simm.s32 $0x0;
	s22 =	simm.s32 $0x2000;
	s23 =	smov.u32 s16;
	(v2sf) =	vpush v0, $0x6  }
.LBB2_5:
0xb6: {  	p0 =	sne.s32 s22, $0x26000  }
0xb7: {  	s3 =	sadd.s32 $0x10480, s21;
	s28 =	sadd.s32 $0x10980, s21;
	s24 =	smov.u32 s22  }
0xb8: {  	s22 =	sadd.s32 $0x2000, s22;
	s30 =	sadd.s32 $0x10780, s21;
	s25 =	sadd.s32 $0x10A00, s21;
	(v2sf) =	vpush v0, $0x7  }
0xb9: {  	s6 =	sadd.s32 $0x10680, s21;
	s29 =	sadd.s32 $0x10800, s21;
	s26 =	sadd.s32 $0x10A80, s21  }
0xba: {  	s5 =	sadd.s32 $0x10400, s21;
	s7 =	sadd.s32 $0x10600, s21;
	(v2sf) =	vpush v0, $0x8  }
0xbb: {  	s8 =	sadd.s32 $0x10700, s21;
	s23 =	sadd.s32 $0x10, s23  }
0xbc: {  	s10 =	sadd.s32 $0x10500, s21;
	s1 =	sadd.s32 $0x10900, s21;
	s0 =	spop (v2sf);
	(v2sf) =	vpush v0, $0x9  }
0xbd: {  	s12 =	sand.u32 $0x1FFFFFF0, s0;
	s0 =	sadd.s32 $0x10880, s21;
	s13 =	spop (v2sf)  }
0xbe: {  	s12 =	sadd.s32 s4, s12;
	s13 =	sand.u32 $0x1FFFFFF0, s13;
	s14 =	spop (v2sf);
	(v2sf) =	vpush v0, $0xA  }
0xbf: {  	[tilespmem:s5], [sflag:$0x2] =	stream.linear.gather [hbm4b:s12+s2], $0x80, $0x38;
	[tilespmem:$0x1A400] =	vst v63  }
0xc0: {  	s5 =	sadd.s32 s4, s13;
	s12 =	sadd.s32 $0x10580, s21;
	s13 =	spop (v2sf);
	(v2sf) =	vpush v0, $0xB  }
0xc1: {  	[tilespmem:s3], [sflag:$0x2] =	stream.linear.gather [hbm4b:s5+s2], $0x80, $0x38;
	[tilespmem:$0x1A400] =	vst v63  }
0xc2: {  	s3 =	sand.u32 $0x1FFFFFF0, s14;
	s5 =	sand.u32 $0x1FFFFFF0, s13;
	s13 =	spop (v2sf);
	(v2sf) =	vpush v0, $0xC  }
0xc3: {  	s3 =	sadd.s32 s4, s3;
	s13 =	sand.u32 $0x1FFFFFF0, s13;
	s14 =	spop (v2sf)  }
0xc4: {  	[tilespmem:s10], [sflag:$0x2] =	stream.linear.gather [hbm4b:s3+s2], $0x80, $0x38;
	(v2sf) =	vpush v0, $0xD;
	[tilespmem:$0x1A400] =	vst v63  }
0xc5: {  	s3 =	sadd.s32 s4, s13;
	s10 =	sand.u32 $0x1FFFFFF0, s14;
	s13 =	spop (v2sf)  }
0xc6: {  	[tilespmem:s12], [sflag:$0x2] =	stream.linear.gather [hbm4b:s3+s2], $0x80, $0x38;
	(v2sf) =	vpush v0, $0xE;
	[tilespmem:$0x1A400] =	vst v63  }
0xc7: {  	s3 =	sadd.s32 s4, s5;
	s5 =	sand.u32 $0x1FFFFFF0, s13;
	s12 =	spop (v2sf)  }
0xc8: {  	[tilespmem:s7], [sflag:$0x2] =	stream.linear.gather [hbm4b:s3+s2], $0x80, $0x38;
	(v2sf) =	vpush v0, $0xF;
	[tilespmem:$0x1A400] =	vst v63  }
0xc9: {  	s3 =	sadd.s32 s4, s10;
	s7 =	sand.u32 $0x1FFFFFF0, s12;
	s10 =	spop (v2sf)  }
0xca: {  	[tilespmem:s6], [sflag:$0x2] =	stream.linear.gather [hbm4b:s3+s2], $0x80, $0x38;
	[tilespmem:$0x1A400] =	vst v63  }
0xcb: {  	s3 =	sadd.s32 s4, s5;
	s5 =	sand.u32 $0x1FFFFFF0, s10;
	s6 =	spop (v2sf)  }
0xcc: {  	[tilespmem:s8], [sflag:$0x2] =	stream.linear.gather [hbm4b:s3+s2], $0x80, $0x38;
	[tilespmem:$0x1A400] =	vst v63  }
0xcd: {  	s3 =	sadd.s32 s4, s7;
	s6 =	sand.u32 $0x1FFFFFF0, s6;
	s7 =	spop (v2sf)  }
0xce: {  	[tilespmem:s30], [sflag:$0x2] =	stream.linear.gather [hbm4b:s3+s2], $0x80, $0x38;
	[tilespmem:$0x1A400] =	vst v63  }
0xcf: {  	s3 =	sadd.s32 s4, s5;
	s5 =	sand.u32 $0x1FFFFFF0, s7;
	s7 =	spop (v2sf)  }
0xd0: {  	[tilespmem:s29], [sflag:$0x2] =	stream.linear.gather [hbm4b:s3+s2], $0x80, $0x38;
	[tilespmem:$0x1A400] =	vst v63  }
0xd1: {  	s3 =	sadd.s32 s4, s6;
	s6 =	sand.u32 $0x1FFFFFF0, s7;
	s7 =	spop (v2sf)  }
0xd2: {  	[tilespmem:s0], [sflag:$0x2] =	stream.linear.gather [hbm4b:s3+s2], $0x80, $0x38;
	[tilespmem:$0x1A400] =	vst v63  }
0xd3: {  	s0 =	sadd.s32 s4, s5;
	s3 =	sand.u32 $0x1FFFFFF0, s7;
	s5 =	spop (v2sf)  }
0xd4: {  	[tilespmem:s1], [sflag:$0x2] =	stream.linear.gather [hbm4b:s0+s2], $0x80, $0x38;
	[tilespmem:$0x1A400] =	vst v63  }
0xd5: {  	s0 =	sadd.s32 s4, s6;
	s1 =	sand.u32 $0x1FFFFFF0, s5;
	s5 =	spop (v2sf)  }
0xd6: {  	[tilespmem:s28], [sflag:$0x2] =	stream.linear.gather [hbm4b:s0+s2], $0x80, $0x38;
	[tilespmem:$0x1A400] =	vst v63  }
0xd7: {  	s0 =	sadd.s32 s4, s3;
	s3 =	sand.u32 $0x1FFFFFF0, s5;
	s5 =	spop (v2sf)  }
0xd8: {  	[tilespmem:s25], [sflag:$0x2] =	stream.linear.gather [hbm4b:s0+s2], $0x80, $0x38;
	[tilespmem:$0x1A400] =	vst v63  }
0xd9: {  	s0 =	sadd.s32 s4, s1;
	s1 =	sand.u32 $0x1FFFFFF0, s5  }
0xda: {  	[tilespmem:s26], [sflag:$0x2] =	stream.linear.gather [hbm4b:s0+s2], $0x80, $0x38;
	[tilespmem:$0x1A400] =	vst v63  }
0xdb: {  	s3 =	sadd.s32 s4, s3;
	s0 =	sadd.s32 $0x10B00, s21  }
0xdc: {  	[tilespmem:s0], [sflag:$0x2] =	stream.linear.gather [hbm4b:s3+s2], $0x80, $0x38;
	[tilespmem:$0x1A400] =	vst v63  }
0xdd: {  	s1 =	sadd.s32 s4, s1;
	s0 =	sadd.s32 $0x10B80, s21  }
0xde: {  	[tilespmem:s0], [sflag:$0x2] =	stream.linear.gather [hbm4b:s1+s2], $0x80, $0x38;
	[tilespmem:$0x1A400] =	vst v63  }
0xdf: {  	v0 =	vld [tilespmem:s23+$0x0];
	_ =	sdelay $0x4  }
0xe0: {  	v0 =	vshll.u32 v0, $0x4  }
0xe1: {  	(v2sf) =	vpush v0, $0x0  }
0xe2: {  	(v2sf) =	vpush v0, $0x1  }
0xe3: {  	(v2sf) =	vpush v0, $0x2;
	_ =	sdelay $0x1  }
0xe4: {  	(v2sf) =	vpush v0, $0x4  }
.Ltmp1:
0xe5: {  	(pc) =	sbr.rel @p0 .LBB2_5-.Ltmp1, $3  }
0xe6: {  	(v2sf) =	vpush v0, $0x3  }
0xe7: {  	(v2sf) =	vpush v0, $0x5;
	_ =	sdelay $0x1  }
0xe8: {  	s21 =	sshra.s32 s24, $0x2;
	(v2sf) =	vpush v0, $0x6  }
0xe9: {  	_ =	sdelay $0x1  }
0xea: {  	s3 =	sadd.s32 $0x10480, s21;
	s6 =	sadd.s32 $0x10980, s21  }
0xeb: {  	s5 =	sadd.s32 $0x10780, s21;
	s0 =	sadd.s32 $0x10A00, s21;
	(v2sf) =	vpush v0, $0x7;
	s7 =	sadd.s32 $0x10680, s21  }
0xec: {  	s8 =	sadd.s32 $0x10800, s21;
	s1 =	sadd.s32 $0x10A80, s21;
	s10 =	sadd.s32 $0x10400, s21  }
0xed: {  	s12 =	sadd.s32 $0x10600, s21;
	s13 =	sadd.s32 $0x10700, s21;
	(v2sf) =	vpush v0, $0x8;
	s14 =	spop (v2sf)  }
0xee: {  	s15 =	sadd.s32 $0x10500, s21;
	s14 =	sand.u32 $0x1FFFFFF0, s14;
	s19 =	spop (v2sf)  }
0xef: {  	(v2sf) =	vpush v0, $0x9;
	s14 =	sadd.s32 s4, s14;
	s19 =	sand.u32 $0x1FFFFFF0, s19;
	s20 =	spop (v2sf)  }
0xf0: {  	[tilespmem:s10], [sflag:$0x2] =	stream.linear.gather [hbm4b:s14+s2], $0x80, $0x38;
	[tilespmem:$0x1A400] =	vst v63  }
0xf1: {  	s22 =	sadd.s32 $0x10580, s21;
	(v2sf) =	vpush v0, $0xA;
	s25 =	sadd.s32 s4, s19;
	s26 =	spop (v2sf)  }
0xf2: {  	[tilespmem:s3], [sflag:$0x2] =	stream.linear.gather [hbm4b:s25+s2], $0x80, $0x38;
	[tilespmem:$0x1A400] =	vst v63  }
0xf3: {  	s10 =	sadd.s32 $0x10900, s21;
	s28 =	sand.u32 $0x1FFFFFF0, s20;
	(v2sf) =	vpush v0, $0xB;
	s29 =	spop (v2sf)  }
0xf4: {  	s14 =	sadd.s32 s4, s28;
	s3 =	sadd.s32 $0x10880, s21;
	s20 =	sand.u32 $0x1FFFFFF0, s29  }
0xf5: {  	(v2sf) =	vpush v0, $0xC;
	[tilespmem:s15], [sflag:$0x2] =	stream.linear.gather [hbm4b:s14+s2], $0x80, $0x38;
	[tilespmem:$0x1A400] =	vst v63  }
0xf6: {  	s30 =	sand.u32 $0x1FFFFFF0, s26;
	s31 =	spop (v2sf);
	s23 =	sadd.s32 s4, s20  }
0xf7: {  	(v2sf) =	vpush v0, $0xD;
	[tilespmem:s22], [sflag:$0x2] =	stream.linear.gather [hbm4b:s23+s2], $0x80, $0x38;
	[tilespmem:$0x1A400] =	vst v63  }
0xf8: {  	s14 =	sadd.s32 s4, s30;
	s15 =	sand.u32 $0x1FFFFFF0, s31;
	s24 =	spop (v2sf)  }
0xf9: {  	(v2sf) =	vpush v0, $0xE;
	[tilespmem:s12], [sflag:$0x2] =	stream.linear.gather [hbm4b:s14+s2], $0x80, $0x38;
	[tilespmem:$0x1A400] =	vst v63  }
0xfa: {  	s15 =	sadd.s32 s4, s15;
	s25 =	sand.u32 $0x1FFFFFF0, s24;
	s26 =	spop (v2sf)  }
0xfb: {  	(v2sf) =	vpush v0, $0xF;
	[tilespmem:s7], [sflag:$0x2] =	stream.linear.gather [hbm4b:s15+s2], $0x80, $0x38;
	[tilespmem:$0x1A400] =	vst v63  }
0xfc: {  	s28 =	sand.u32 $0x1FFFFFF0, s26;
	s29 =	spop (v2sf);
	s12 =	sadd.s32 s4, s25  }
0xfd: {  	[tilespmem:s13], [sflag:$0x2] =	stream.linear.gather [hbm4b:s12+s2], $0x80, $0x38;
	[tilespmem:$0x1A400] =	vst v63  }
0xfe: {  	s30 =	sand.u32 $0x1FFFFFF0, s29;
	s7 =	sadd.s32 s4, s28;
	s31 =	spop (v2sf)  }
0xff: {  	[tilespmem:s5], [sflag:$0x2] =	stream.linear.gather [hbm4b:s7+s2], $0x80, $0x38;
	[tilespmem:$0x1A400] =	vst v63  }
0x100: {  	s12 =	sadd.s32 s4, s30;
	s14 =	sand.u32 $0x1FFFFFF0, s31;
	s15 =	spop (v2sf)  }
0x101: {  	[tilespmem:s8], [sflag:$0x2] =	stream.linear.gather [hbm4b:s12+s2], $0x80, $0x38;
	[tilespmem:$0x1A400] =	vst v63  }
0x102: {  	s7 =	sand.u32 $0x1FFFFFF0, s15;
	s5 =	sadd.s32 s4, s14;
	s19 =	spop (v2sf)  }
0x103: {  	[tilespmem:s3], [sflag:$0x2] =	stream.linear.gather [hbm4b:s5+s2], $0x80, $0x38;
	[tilespmem:$0x1A400] =	vst v63  }
0x104: {  	s7 =	sadd.s32 s4, s7;
	s20 =	sand.u32 $0x1FFFFFF0, s19;
	s22 =	spop (v2sf)  }
0x105: {  	[tilespmem:s10], [sflag:$0x2] =	stream.linear.gather [hbm4b:s7+s2], $0x80, $0x38;
	[tilespmem:$0x1A400] =	vst v63  }
0x106: {  	s3 =	sadd.s32 s4, s20;
	s5 =	sand.u32 $0x1FFFFFF0, s22;
	s23 =	spop (v2sf)  }
0x107: {  	[tilespmem:s6], [sflag:$0x2] =	stream.linear.gather [hbm4b:s3+s2], $0x80, $0x38;
	[tilespmem:$0x1A400] =	vst v63  }
0x108: {  	s24 =	sand.u32 $0x1FFFFFF0, s23;
	s5 =	sadd.s32 s4, s5;
	s25 =	spop (v2sf)  }
0x109: {  	[tilespmem:s0], [sflag:$0x2] =	stream.linear.gather [hbm4b:s5+s2], $0x80, $0x38;
	[tilespmem:$0x1A400] =	vst v63  }
0x10a: {  	s26 =	sand.u32 $0x1FFFFFF0, s25;
	s28 =	spop (v2sf);
	s3 =	sadd.s32 s4, s24  }
0x10b: {  	[tilespmem:s1], [sflag:$0x2] =	stream.linear.gather [hbm4b:s3+s2], $0x80, $0x38;
	[tilespmem:$0x1A400] =	vst v63  }
0x10c: {  	s30 =	sadd.s32 $0x10B00, s21;
	s29 =	sand.u32 $0x1FFFFFF0, s28;
	s0 =	sadd.s32 s4, s26  }
0x10d: {  	[tilespmem:s30], [sflag:$0x2] =	stream.linear.gather [hbm4b:s0+s2], $0x80, $0x38;
	[tilespmem:$0x1A400] =	vst v63  }
0x10e: {  	s31 =	sadd.s32 $0x10B80, s21;
	s1 =	sadd.s32 s4, s29  }
0x10f: {  	[tilespmem:s31], [sflag:$0x2] =	stream.linear.gather [hbm4b:s1+s2], $0x80, $0x38;
	[tilespmem:$0x1A400] =	vst v63  }
0x110: {  	_ =	swait.ge [sflag:s9], $0x80  }
0x111: {  	s0 =	simm.s32 $0x13F;
	[sflag:s9] =	ssyncset.done $0x0  }
.LBB2_7:
0x112: {  	p0 =	sne.s32 s0, $0x1;
	s0 =	sadd.s32 $0xFFFFFFFF, s0;
	[sflag:s9] =	ssyncadd.s32 $0xFFFFFF80  }
.Ltmp2:
0x113: {  	(pc) =	sbr.rel @p0 .LBB2_7-.Ltmp2, $3  }
0x114: {  	_ =	sdelay $0x1  }
0x115: {  	_ =	swait.ge [sflag:s9], $0x80  }
0x116: {  	[sflag:s9] =	ssyncset.done $0x0  }
0x117: {  	s3 =	rddreg [dreg:$0x3]  }
0x118: {  	s0 =	rddreg [dreg:$0x9]  }
0x119: {  	s0 =	sadd.s32 s3, s0  }
0x11a: {  	s5 =	rddreg [dreg:$0x4];
	s0 =	sshll.u32 s0, $0x4  }
0x11b: {  	[sflag:s9] =	ssyncadd.s32 $0xFFFFFF80;
	s1 =	simm.s32 $0x6400;
	s0 =	sadd.s32 s5, s0  }
0x11c: {  	[hbm4b:s0+s2] =	stream.linear.scatter [tilespmem:s1], [sflag:$0x3], $0xA000, $0x38;
	[tilespmem:$0x1A400] =	vst v63  }
0x11d: {  	_ =	swait.ge [sflag:s11], $0x80  }
0x11e: {  	s0 =	simm.s32 $0x13F;
	[sflag:s11] =	ssyncset.done $0x0  }
.LBB2_9:
0x11f: {  	p0 =	sne.s32 s0, $0x1;
	s0 =	sadd.s32 $0xFFFFFFFF, s0;
	[sflag:s11] =	ssyncadd.s32 $0xFFFFFF80  }
.Ltmp3:
0x120: {  	(pc) =	sbr.rel @p0 .LBB2_9-.Ltmp3, $3  }
0x121: {  	_ =	sdelay $0x1  }
0x122: {  	_ =	swait.ge [sflag:s11], $0x80  }
0x123: {  	[sflag:s11] =	ssyncset.done $0x0  }
0x124: {  	s0 =	rddreg [dreg:$0x8];
	s18 =	sadd.s32 $0x1, s18  }
0x125: {  	s0 =	smul.u32 $0x140, s0;
	p0 =	sne.s32 s18, $0x28  }
.Ltmp4:
0x126: {  	_ = 	snop;
	(pc) =	sbr.rel @p0 .LBB2_2-.Ltmp4, $4  }
0x127: {  	s0 =	sadd.s32 s3, s0  }
0x128: {  	[sflag:s11] =	ssyncadd.s32 $0xFFFFFF80;
	s1 =	simm.s32 $0x10400;
	s0 =	sshll.u32 s0, $0x4  }
0x129: {  	s17 =	sadd.s32 $0x280, s17;
	s16 =	sadd.s32 $0x280, s16;
	s0 =	sadd.s32 s5, s0  }
0x12a: {  	[hbm4b:s0+s2] =	stream.linear.scatter [tilespmem:s1], [sflag:$0x4], $0xA000, $0x38;
	[tilespmem:$0x1A400] =	vst v63  }
0x12b: {  	s0 =	simm.s32 $0x3  }
0x12c: {  	_ =	swait.ge [sflag:s0], $0xA000  }
0x12d: {  	[sflag:s0] =	ssyncset.done $0x0  }
0x12e: {  	s1 =	simm.s32 $0x4;
	[sflag:s0] =	ssyncadd.s32 $0xFFFF6000  }
0x12f: {  	_ =	swait.ge [sflag:s1], $0xA000  }
0x130: {  	s6 =	rddreg [dreg:$0x7]  }
0x131: {  	s31 =	rddreg [dreg:$0x6];
	s6 =	sadd.s32 $0x1, s6  }
0x132: {  	p0 =	sne.s32 s6, s31  }
.Ltmp5:
0x133: {  	_ = 	snop;
	(pc) =	sbr.rel @p0 .LBB2_1-.Ltmp5, $3  }
0x134: {  	_ =	sdelay $0x1  }
0x135: {  	[sflag:s1] =	ssyncset.done $0x0  }
0x136: {  	[sflag:s1] =	ssyncadd.s32 $0xFFFF6000  }
0x137: {  	_ =	sfence.sel $0x180000  }
0x138: {  	[bflag:$0x0] =	sbarrier.arrive $0xFFFF  }
0x139: {  	_ =	strace $0x90000047  }
0x13a: {  	s0 =	stileid.u32;
	[bflag:$0x2] =	sbarrier.arrive $0xFFFF  }
0x13b: {  	p0 =	sne.s32 s0, $0x0;
	s0 =	rddreg [dreg:$0x2]  }
0x13c: {  	s0 =	sadd.s32 @!p0 $0x100000, s0  }
0x13d: {  	[sflag:s0] =	ssyncadd.tile.s32 @!p0 $0x1;
	_ =	shalt  }
.Lfunc_end2:
_tile_overlayer_lowered:
.L_overlay_start_2:
0x13e: {  	(tag) =	ssettag $0x2  }
0x13f: {  	s0 =	rddreg [dreg:$0x0];
	s2 =	stileid.u32  }
0x140: {  	s1 =	rddreg [dreg:$0x1];
	p0 =	sne.s32 s2, $0x0  }
0x141: {  	s3 =	rddreg [dreg:$0x2];
	[bflag:$0x3] =	sbarrier.arrive $0xFFFF;
	s2 =	simm.s32 @!p0 $0x1C05  }
0x142: {  	[timem:s3], [sflag:s2] =	dma.local @!p0 [hbm:s0], s1  }
0x143: {  	s0 =	simm.s32 @!p0 $0x5  }
0x144: {  	_ =	swait.ge @!p0 [sflag:s0], s1  }
0x145: {  	s1 =	ssub.s32 @!p0 $0x0, s1;
	[sflag:s0] =	ssyncset.done @!p0 $0x0  }
0x146: {  	[sflag:s0] =	ssyncadd.s32 @!p0 s1  }
0x147: {  	[bflag:$0x3] =	sbarrier.arrive $0xFFFF  }
0x148: {  	_ =	shalt  }

</sc_bundles>
